<compile_context>
chip_gen: v7x
topology: tpu7x:2x2x1
jax: 0.10.2.dev20260603
libtpu: 0.0.44.dev20260713+nightly
codegen_flags: <defaults>
</compile_context>

<pallas_src>
import functools

import jax
import jax.numpy as jnp
from jax import lax
from jax.experimental import pallas as pl
from jax.experimental.pallas import tpu as pltpu
from jax.experimental.pallas import tpu_sc as plsc

MAX_LENGTH = 40
EMBED_DIM = 64
BATCH = 16384
NUM_WORKERS = 32
BT = BATCH // 128
TPW = BT // NUM_WORKERS
HB = 256
STEPS = MAX_LENGTH * 2
TP = HB + 1

_mesh = plsc.VectorSubcoreMesh(core_axis_name="c", subcore_axis_name="s")


@functools.partial(
    pl.kernel,
    mesh=_mesh,
    compiler_params=pltpu.CompilerParams(
        use_tc_tiling_on_sc=False, needs_layout_passes=False),
    out_type=jax.ShapeDtypeStruct(
        (MAX_LENGTH, EMBED_DIM // 8, BT, 8, 128), jnp.float32),
    scratch_types=[
        pltpu.VMEM((MAX_LENGTH // 8, TPW, 8, 128), jnp.int32),
        pltpu.VMEM((HB, EMBED_DIM), jnp.float32),
        pltpu.VMEM((HB, EMBED_DIM), jnp.float32),
        pltpu.VMEM((EMBED_DIM // 8, 2, 8, 129), jnp.float32),
        pltpu.VMEM((EMBED_DIM // 8, 2, 8, 129), jnp.float32),
        pltpu.VMEM((MAX_LENGTH, EMBED_DIM), jnp.float32),
        pltpu.SemaphoreType.DMA,
        pltpu.SemaphoreType.DMA,
        pltpu.SemaphoreType.DMA,
    ],
)
def _embed(tok_hbm, x4_hbm, pos_hbm, out_hbm, idx_v, rows0, rows1,
           tbuf0, tbuf1, pos_v, sem_g0, sem_g1, sem_o):
    wid = lax.axis_index("s") * 2 + lax.axis_index("c")
    tb0 = wid * TPW
    pltpu.sync_copy(pos_hbm, pos_v)
    pltpu.sync_copy(x4_hbm.at[:, pl.ds(tb0, TPW)], idx_v)
    iota = lax.iota(jnp.int32, 16)

    rbufs = (rows0, rows1)
    tbufs = (tbuf0, tbuf1)
    gsems = (sem_g0, sem_g1)

    def fire_gathers(s_l, s_h, rbuf, sem):
        for j in range(2):
            pltpu.async_copy(
                tok_hbm.at[idx_v.at[s_l >> 3, 2 * s_h + j, s_l & 7]],
                rbuf.at[pl.ds(j * 128, 128)], sem)

    def drain_gathers(rbuf, sem):
        pltpu.make_async_copy(tok_hbm.at[pl.ds(0, HB)], rbuf, sem).wait()

    def wait_out():
        pltpu.make_async_copy(
            rows0, tok_hbm.at[pl.ds(0, HB)], sem_o).wait()

    evecs = [(iota >> 3) + 2 * k for k in range(EMBED_DIM // 16)]
    svec = iota & 7
    zeros = iota * 0

    def transpose_add(l, rbuf, tbuf):
        pvs = [pos_v[l, pl.ds(16 * k, 16)] for k in range(EMBED_DIM // 16)]

        def r_body(r8, carry):
            for u in range(8):
                r = r8 * 8 + u
                jvec = zeros + (r >> 7)
                cvec = zeros + (r & 127)
                for k in range(EMBED_DIM // 16):
                    v = rbuf[r, pl.ds(16 * k, 16)] + pvs[k]
                    plsc.store_scatter(tbuf, [evecs[k], jvec, svec, cvec], v)
            return carry
        lax.fori_loop(0, HB // 8, r_body, 0)

    fire_gathers(0, 0, rows0, sem_g0)

    def pair_body(i, carry):
        for p in range(2):
            s = 2 * i + p

            @pl.when(s + 1 < STEPS)
            def _():
                fire_gathers(i + p, 1 - p, rbufs[1 - p], gsems[1 - p])

            @pl.when(s >= 1)
            def _():
                wait_out()

            drain_gathers(rbufs[p], gsems[p])
            transpose_add(i, rbufs[p], tbufs[p])
            pltpu.async_copy(
                tbufs[p].at[:, :, :, pl.ds(0, 128)],
                out_hbm.at[i, :, pl.ds(tb0 + 2 * p, 2)], sem_o)
        return carry

    lax.fori_loop(0, STEPS // 2, pair_body, 0)
    wait_out()


def kernel(x, token_table, position_table):
    x4 = x.T.reshape(MAX_LENGTH // 8, 8, BT, 128).transpose(0, 2, 1, 3)
    out5 = _embed(token_table, x4, position_table)
    return out5.transpose(2, 4, 0, 1, 3).reshape(BATCH, MAX_LENGTH, EMBED_DIM)

# --- scband reference (transcript-rebuilt; emitter-appended) ---
"""Pipeline reference for scband-bert-encoder-39281770889785 (READ-ONLY COPY).

The authoritative reference and input builder live on the scoring server;
editing this copy changes nothing except your own understanding.
"""

import jax, jax.numpy as jnp
import numpy as np

MAX_LENGTH = 40
VOCAB = 1000000
EMBED_DIM = 64
BATCH = 16384

def setup_inputs(seed: int = 0) -> dict:
    key = jax.random.key(seed)
    k1, k2, k3 = jax.random.split(key, 3)
    x = jax.random.randint(k1, (BATCH, MAX_LENGTH), 0, VOCAB, dtype=jnp.int64 if jax.config.jax_enable_x64 else jnp.int32)
    token_table = jax.random.normal(k2, (VOCAB, EMBED_DIM), dtype=jnp.float32) * 0.02
    position_table = jax.random.normal(k3, (MAX_LENGTH, EMBED_DIM), dtype=jnp.float32) * 0.02
    return {"x": x, "token_table": token_table, "position_table": position_table}

def reference(x, token_table, position_table):
    # token embedding lookup: [B, L, D]
    token_embedding = jnp.take(token_table, x, axis=0)
    # position embedding for range(0, MAX_LENGTH): [L, D]
    pos_ids = jnp.arange(MAX_LENGTH)
    position_embedding = jnp.take(position_table, pos_ids, axis=0)
    return token_embedding + position_embedding[None, :, :]

if __name__ == "__main__":
    import jax
    _d = setup_inputs()
    print(jax.jit(kernel)(*tuple(_d.values())))

</pallas_src>

<mosaic_0001>
#map = affine_map<(d0, d1) -> (0, 0)>
#map1 = affine_map<(d0, d1) -> (0, 0, 0, 0)>
#map2 = affine_map<(d0, d1) -> (0, 0, 0, 0, 0)>
module attributes {stable_mosaic.version = 14 : i64} {
  func.func @_embed(%arg0: i32, %arg1: i32, %arg2: memref<1000000x64xf32, #tpu.memory_space<hbm>>, %arg3: memref<5x128x8x128xi32, #tpu.memory_space<hbm>>, %arg4: memref<40x64xf32, #tpu.memory_space<hbm>>, %arg5: memref<40x8x128x8x128xf32, #tpu.memory_space<hbm>>, %arg6: memref<5x4x8x128xi32, #tpu.memory_space<vmem>>, %arg7: memref<256x64xf32, #tpu.memory_space<vmem>>, %arg8: memref<256x64xf32, #tpu.memory_space<vmem>>, %arg9: memref<8x2x8x129xf32, #tpu.memory_space<vmem>>, %arg10: memref<8x2x8x129xf32, #tpu.memory_space<vmem>>, %arg11: memref<40x64xf32, #tpu.memory_space<vmem>>, %arg12: memref<!tpu.dma_semaphore, #tpu.memory_space<semaphore_mem>>, %arg13: memref<!tpu.dma_semaphore, #tpu.memory_space<semaphore_mem>>, %arg14: memref<!tpu.dma_semaphore, #tpu.memory_space<semaphore_mem>>) attributes {dimension_semantics = [#tpu.dimension_semantics<core_parallel>, #tpu.dimension_semantics<subcore_parallel>], iteration_bounds = array<i64: 2, 16>, scalar_prefetch = 0 : i64, scratch_operands = 9 : i64, tpu.core_type = #tpu.core_type<sc_vector_subcore>, window_params = [{transform_indices = #map}, {transform_indices = #map1}, {transform_indices = #map}, {transform_indices = #map2}]} {
    %mul3A = arith.constant 2 : i32
    %mul3A_0 = arith.muli %arg1, %mul3A : i32
    %add3A = arith.addi %mul3A_0, %arg0 : i32
    %mul3A_1 = arith.constant 4 : i32
    %mul3A_2 = arith.muli %add3A, %mul3A_1 : i32
    "tpu.region"() ({
      %run_scoped3A = tpu.sem_alloc : memref<!tpu.dma_semaphore, #tpu.memory_space<semaphore_mem>>
      tpu.enqueue_dma source(%arg4 : memref<40x64xf32, #tpu.memory_space<hbm>>) target(%arg11 : memref<40x64xf32, #tpu.memory_space<vmem>>) target_semaphore(%run_scoped3A : memref<!tpu.dma_semaphore, #tpu.memory_space<semaphore_mem>>)
      tpu.wait_dma2 semaphore(%run_scoped3A : memref<!tpu.dma_semaphore, #tpu.memory_space<semaphore_mem>>) src(%arg4 : memref<40x64xf32, #tpu.memory_space<hbm>>) dst(%arg11 : memref<40x64xf32, #tpu.memory_space<vmem>>)
      tpu.yield
    }) : () -> ()
    "tpu.region"() ({
      %run_scoped3A = tpu.sem_alloc : memref<!tpu.dma_semaphore, #tpu.memory_space<semaphore_mem>>
      %dma_start3A_64 = arith.constant 0 : i32
      %dma_start3A_65 = arith.constant 0 : i32
      %dma_start3A_66 = arith.constant 0 : i32
      %dma_start3A_67 = tpu.memref_slice %arg3[%dma_start3A_64, %mul3A_2, %dma_start3A_65, %dma_start3A_66] : memref<5x128x8x128xi32, #tpu.memory_space<hbm>> -> memref<5x4x8x128xi32, #tpu.memory_space<hbm>>
      %dma_start3A_68 = arith.constant 0 : i32
      %dma_start3A_69 = arith.constant 0 : i32
      %dma_start3A_70 = arith.constant 0 : i32
      %dma_start3A_71 = tpu.memref_slice %arg3[%dma_start3A_68, %mul3A_2, %dma_start3A_69, %dma_start3A_70] : memref<5x128x8x128xi32, #tpu.memory_space<hbm>> -> memref<5x4x8x128xi32, #tpu.memory_space<hbm>>
      tpu.enqueue_dma source(%dma_start3A_71 : memref<5x4x8x128xi32, #tpu.memory_space<hbm>>) target(%arg6 : memref<5x4x8x128xi32, #tpu.memory_space<vmem>>) target_semaphore(%run_scoped3A : memref<!tpu.dma_semaphore, #tpu.memory_space<semaphore_mem>>)
      %dma_wait3A_72 = arith.constant 0 : i32
      %dma_wait3A_73 = arith.constant 0 : i32
      %dma_wait3A_74 = arith.constant 0 : i32
      %dma_wait3A_75 = tpu.memref_slice %arg3[%dma_wait3A_72, %mul3A_2, %dma_wait3A_73, %dma_wait3A_74] : memref<5x128x8x128xi32, #tpu.memory_space<hbm>> -> memref<5x4x8x128xi32, #tpu.memory_space<hbm>>
      %dma_wait3A_76 = arith.constant 0 : i32
      %dma_wait3A_77 = arith.constant 0 : i32
      %dma_wait3A_78 = arith.constant 0 : i32
      %dma_wait3A_79 = tpu.memref_slice %arg3[%dma_wait3A_76, %mul3A_2, %dma_wait3A_77, %dma_wait3A_78] : memref<5x128x8x128xi32, #tpu.memory_space<hbm>> -> memref<5x4x8x128xi32, #tpu.memory_space<hbm>>
      tpu.wait_dma2 semaphore(%run_scoped3A : memref<!tpu.dma_semaphore, #tpu.memory_space<semaphore_mem>>) src(%dma_wait3A_79 : memref<5x4x8x128xi32, #tpu.memory_space<hbm>>) dst(%arg6 : memref<5x4x8x128xi32, #tpu.memory_space<vmem>>)
      tpu.yield
    }) : () -> ()
    %iota3A = tpu.iota {dimensions = array<i32: 0>} : vector<16xi32>
    %shift_right_arithmetic3A = arith.constant 3 : i32
    %shift_right_arithmetic3A_3 = vector.broadcast %shift_right_arithmetic3A : i32 to vector<16xi32>
    %shift_right_arithmetic3A_4 = arith.shrsi %iota3A, %shift_right_arithmetic3A_3 : vector<16xi32>
    %add3A_5 = arith.constant 0 : i32
    %add3A_6 = vector.broadcast %add3A_5 : i32 to vector<16xi32>
    %add3A_7 = arith.addi %shift_right_arithmetic3A_4, %add3A_6 : vector<16xi32>
    %shift_right_arithmetic3A_8 = arith.constant 3 : i32
    %shift_right_arithmetic3A_9 = vector.broadcast %shift_right_arithmetic3A_8 : i32 to vector<16xi32>
    %shift_right_arithmetic3A_10 = arith.shrsi %iota3A, %shift_right_arithmetic3A_9 : vector<16xi32>
    %add3A_11 = arith.constant 2 : i32
    %add3A_12 = vector.broadcast %add3A_11 : i32 to vector<16xi32>
    %add3A_13 = arith.addi %shift_right_arithmetic3A_10, %add3A_12 : vector<16xi32>
    %shift_right_arithmetic3A_14 = arith.constant 3 : i32
    %shift_right_arithmetic3A_15 = vector.broadcast %shift_right_arithmetic3A_14 : i32 to vector<16xi32>
    %shift_right_arithmetic3A_16 = arith.shrsi %iota3A, %shift_right_arithmetic3A_15 : vector<16xi32>
    %add3A_17 = arith.constant 4 : i32
    %add3A_18 = vector.broadcast %add3A_17 : i32 to vector<16xi32>
    %add3A_19 = arith.addi %shift_right_arithmetic3A_16, %add3A_18 : vector<16xi32>
    %shift_right_arithmetic3A_20 = arith.constant 3 : i32
    %shift_right_arithmetic3A_21 = vector.broadcast %shift_right_arithmetic3A_20 : i32 to vector<16xi32>
    %shift_right_arithmetic3A_22 = arith.shrsi %iota3A, %shift_right_arithmetic3A_21 : vector<16xi32>
    %add3A_23 = arith.constant 6 : i32
    %add3A_24 = vector.broadcast %add3A_23 : i32 to vector<16xi32>
    %add3A_25 = arith.addi %shift_right_arithmetic3A_22, %add3A_24 : vector<16xi32>
    %and3A = arith.constant 7 : i32
    %and3A_26 = vector.broadcast %and3A : i32 to vector<16xi32>
    %and3A_27 = arith.andi %iota3A, %and3A_26 : vector<16xi32>
    %mul3A_28 = arith.constant 0 : i32
    %mul3A_29 = vector.broadcast %mul3A_28 : i32 to vector<16xi32>
    %mul3A_30 = arith.muli %iota3A, %mul3A_29 : vector<16xi32>
    %dma_start3A = arith.constant 0 : i32
    %dma_start3A_31 = arith.constant 0 : i32
    %dma_start3A_32 = arith.constant 0 : i32
    %dma_start3A_33 = arith.constant 0 : i32
    %dma_start3A_34 = arith.constant 0 : i32
    %dma_start3A_35 = tpu.memref_slice %arg7[%dma_start3A_33, %dma_start3A_34] : memref<256x64xf32, #tpu.memory_space<vmem>> -> memref<128x64xf32, #tpu.memory_space<vmem>>
    %dma_start3A_36 = arith.constant 0 : i32
    %dma_start3A_37 = tpu.memref_slice %arg6[%dma_start3A, %dma_start3A_31, %dma_start3A_32, %dma_start3A_36] : memref<5x4x8x128xi32, #tpu.memory_space<vmem>> -> memref<1x1x1x128xi32, #tpu.memory_space<vmem>>
    %dma_start3A_38 = tpu.memref_squeeze %dma_start3A_37 : memref<1x1x1x128xi32, #tpu.memory_space<vmem>> -> memref<128xi32, #tpu.memory_space<vmem>>
    %dma_start3A_39 = arith.constant 0 : i32
    %dma_start3A_40 = arith.constant 0 : i32
    %dma_start3A_41 = tpu.memref_slice %arg2[%dma_start3A_39, %dma_start3A_40] : memref<1000000x64xf32, #tpu.memory_space<hbm>> -> memref<1000000x64xf32, #tpu.memory_space<hbm>>
    tpu.enqueue_indirect_dma source(%dma_start3A_41 : memref<1000000x64xf32, #tpu.memory_space<hbm>>) target(%dma_start3A_35 : memref<128x64xf32, #tpu.memory_space<vmem>>) offsets(%dma_start3A_38 : memref<128xi32, #tpu.memory_space<vmem>>) semaphore(%arg12 : memref<!tpu.dma_semaphore, #tpu.memory_space<semaphore_mem>>)
    %dma_start3A_42 = arith.constant 0 : i32
    %dma_start3A_43 = arith.constant 1 : i32
    %dma_start3A_44 = arith.constant 0 : i32
    %dma_start3A_45 = arith.constant 128 : i32
    %dma_start3A_46 = arith.constant 0 : i32
    %dma_start3A_47 = tpu.memref_slice %arg7[%dma_start3A_45, %dma_start3A_46] : memref<256x64xf32, #tpu.memory_space<vmem>> -> memref<128x64xf32, #tpu.memory_space<vmem>>
    %dma_start3A_48 = arith.constant 0 : i32
    %dma_start3A_49 = tpu.memref_slice %arg6[%dma_start3A_42, %dma_start3A_43, %dma_start3A_44, %dma_start3A_48] : memref<5x4x8x128xi32, #tpu.memory_space<vmem>> -> memref<1x1x1x128xi32, #tpu.memory_space<vmem>>
    %dma_start3A_50 = tpu.memref_squeeze %dma_start3A_49 : memref<1x1x1x128xi32, #tpu.memory_space<vmem>> -> memref<128xi32, #tpu.memory_space<vmem>>
    %dma_start3A_51 = arith.constant 0 : i32
    %dma_start3A_52 = arith.constant 0 : i32
    %dma_start3A_53 = tpu.memref_slice %arg2[%dma_start3A_51, %dma_start3A_52] : memref<1000000x64xf32, #tpu.memory_space<hbm>> -> memref<1000000x64xf32, #tpu.memory_space<hbm>>
    tpu.enqueue_indirect_dma source(%dma_start3A_53 : memref<1000000x64xf32, #tpu.memory_space<hbm>>) target(%dma_start3A_47 : memref<128x64xf32, #tpu.memory_space<vmem>>) offsets(%dma_start3A_50 : memref<128xi32, #tpu.memory_space<vmem>>) semaphore(%arg12 : memref<!tpu.dma_semaphore, #tpu.memory_space<semaphore_mem>>)
    %scan3A = arith.constant 0 : i32
    %scan3A_54 = arith.constant 0 : i32
    %scan3A_55 = arith.constant 40 : i32
    %scan3A_56 = arith.addi %scan3A_54, %scan3A_55 : i32
    %scan3A_57 = arith.constant 1 : i32
    scf.for %scan3A_64 = %scan3A_54 to %scan3A_56 step %scan3A_57  : i32 {
      %mul3A_65 = arith.constant 2 : i32
      %mul3A_66 = arith.muli %mul3A_65, %scan3A_64 : i32
      %add3A_67 = arith.constant 0 : i32
      %add3A_68 = arith.addi %mul3A_66, %add3A_67 : i32
      %add3A_69 = arith.constant 1 : i32
      %add3A_70 = arith.addi %add3A_68, %add3A_69 : i32
      %lt3A = arith.constant 80 : i32
      %lt3A_71 = arith.cmpi slt, %add3A_70, %lt3A : i32
      %convert_element_type3A = arith.extui %lt3A_71 : i1 to i32
      %cond3A = arith.constant 0 : i32
      %cond3A_72 = arith.cmpi ne, %convert_element_type3A, %cond3A : i32
      scf.if %cond3A_72 {
        %add3A_184 = arith.constant 0 : i32
        %add3A_185 = arith.addi %scan3A_64, %add3A_184 : i32
        %shift_right_arithmetic3A_186 = arith.constant 3 : i32
        %shift_right_arithmetic3A_187 = arith.shrsi %add3A_185, %shift_right_arithmetic3A_186 : i32
        %and3A_188 = arith.constant 7 : i32
        %and3A_189 = arith.andi %add3A_185, %and3A_188 : i32
        %dma_start3A_190 = arith.constant 2 : i32
        %dma_start3A_191 = arith.constant 0 : i32
        %dma_start3A_192 = arith.constant 0 : i32
        %dma_start3A_193 = tpu.memref_slice %arg8[%dma_start3A_191, %dma_start3A_192] : memref<256x64xf32, #tpu.memory_space<vmem>> -> memref<128x64xf32, #tpu.memory_space<vmem>>
        %dma_start3A_194 = arith.constant 0 : i32
        %dma_start3A_195 = tpu.memref_slice %arg6[%shift_right_arithmetic3A_187, %dma_start3A_190, %and3A_189, %dma_start3A_194] : memref<5x4x8x128xi32, #tpu.memory_space<vmem>> -> memref<1x1x1x128xi32, #tpu.memory_space<vmem>>
        %dma_start3A_196 = tpu.memref_squeeze %dma_start3A_195 : memref<1x1x1x128xi32, #tpu.memory_space<vmem>> -> memref<128xi32, #tpu.memory_space<vmem>>
        %dma_start3A_197 = arith.constant 0 : i32
        %dma_start3A_198 = arith.constant 0 : i32
        %dma_start3A_199 = tpu.memref_slice %arg2[%dma_start3A_197, %dma_start3A_198] : memref<1000000x64xf32, #tpu.memory_space<hbm>> -> memref<1000000x64xf32, #tpu.memory_space<hbm>>
        tpu.enqueue_indirect_dma source(%dma_start3A_199 : memref<1000000x64xf32, #tpu.memory_space<hbm>>) target(%dma_start3A_193 : memref<128x64xf32, #tpu.memory_space<vmem>>) offsets(%dma_start3A_196 : memref<128xi32, #tpu.memory_space<vmem>>) semaphore(%arg13 : memref<!tpu.dma_semaphore, #tpu.memory_space<semaphore_mem>>)
        %shift_right_arithmetic3A_200 = arith.constant 3 : i32
        %shift_right_arithmetic3A_201 = arith.shrsi %add3A_185, %shift_right_arithmetic3A_200 : i32
        %and3A_202 = arith.constant 7 : i32
        %and3A_203 = arith.andi %add3A_185, %and3A_202 : i32
        %dma_start3A_204 = arith.constant 3 : i32
        %dma_start3A_205 = arith.constant 128 : i32
        %dma_start3A_206 = arith.constant 0 : i32
        %dma_start3A_207 = tpu.memref_slice %arg8[%dma_start3A_205, %dma_start3A_206] : memref<256x64xf32, #tpu.memory_space<vmem>> -> memref<128x64xf32, #tpu.memory_space<vmem>>
        %dma_start3A_208 = arith.constant 0 : i32
        %dma_start3A_209 = tpu.memref_slice %arg6[%shift_right_arithmetic3A_201, %dma_start3A_204, %and3A_203, %dma_start3A_208] : memref<5x4x8x128xi32, #tpu.memory_space<vmem>> -> memref<1x1x1x128xi32, #tpu.memory_space<vmem>>
        %dma_start3A_210 = tpu.memref_squeeze %dma_start3A_209 : memref<1x1x1x128xi32, #tpu.memory_space<vmem>> -> memref<128xi32, #tpu.memory_space<vmem>>
        %dma_start3A_211 = arith.constant 0 : i32
        %dma_start3A_212 = arith.constant 0 : i32
        %dma_start3A_213 = tpu.memref_slice %arg2[%dma_start3A_211, %dma_start3A_212] : memref<1000000x64xf32, #tpu.memory_space<hbm>> -> memref<1000000x64xf32, #tpu.memory_space<hbm>>
        tpu.enqueue_indirect_dma source(%dma_start3A_213 : memref<1000000x64xf32, #tpu.memory_space<hbm>>) target(%dma_start3A_207 : memref<128x64xf32, #tpu.memory_space<vmem>>) offsets(%dma_start3A_210 : memref<128xi32, #tpu.memory_space<vmem>>) semaphore(%arg13 : memref<!tpu.dma_semaphore, #tpu.memory_space<semaphore_mem>>)
      } else {
      }
      %ge3A = arith.constant 1 : i32
      %ge3A_73 = arith.cmpi sge, %add3A_68, %ge3A : i32
      %convert_element_type3A_74 = arith.extui %ge3A_73 : i1 to i32
      %cond3A_75 = arith.constant 0 : i32
      %cond3A_76 = arith.cmpi ne, %convert_element_type3A_74, %cond3A_75 : i32
      scf.if %cond3A_76 {
        %dma_wait3A_184 = arith.constant 0 : i32
        %dma_wait3A_185 = arith.constant 0 : i32
        %dma_wait3A_186 = tpu.memref_slice %arg2[%dma_wait3A_184, %dma_wait3A_185] : memref<1000000x64xf32, #tpu.memory_space<hbm>> -> memref<256x64xf32, #tpu.memory_space<hbm>>
        %dma_wait3A_187 = arith.constant 0 : i32
        %dma_wait3A_188 = arith.constant 0 : i32
        %dma_wait3A_189 = tpu.memref_slice %arg2[%dma_wait3A_187, %dma_wait3A_188] : memref<1000000x64xf32, #tpu.memory_space<hbm>> -> memref<256x64xf32, #tpu.memory_space<hbm>>
        tpu.wait_dma2 semaphore(%arg14 : memref<!tpu.dma_semaphore, #tpu.memory_space<semaphore_mem>>) src(%arg7 : memref<256x64xf32, #tpu.memory_space<vmem>>) dst(%dma_wait3A_189 : memref<256x64xf32, #tpu.memory_space<hbm>>)
      } else {
      }
      %dma_wait3A_77 = arith.constant 0 : i32
      %dma_wait3A_78 = arith.constant 0 : i32
      %dma_wait3A_79 = tpu.memref_slice %arg2[%dma_wait3A_77, %dma_wait3A_78] : memref<1000000x64xf32, #tpu.memory_space<hbm>> -> memref<256x64xf32, #tpu.memory_space<hbm>>
      %dma_wait3A_80 = arith.constant 0 : i32
      %dma_wait3A_81 = arith.constant 0 : i32
      %dma_wait3A_82 = tpu.memref_slice %arg2[%dma_wait3A_80, %dma_wait3A_81] : memref<1000000x64xf32, #tpu.memory_space<hbm>> -> memref<256x64xf32, #tpu.memory_space<hbm>>
      tpu.wait_dma2 semaphore(%arg12 : memref<!tpu.dma_semaphore, #tpu.memory_space<semaphore_mem>>) src(%dma_wait3A_82 : memref<256x64xf32, #tpu.memory_space<hbm>>) dst(%arg7 : memref<256x64xf32, #tpu.memory_space<vmem>>)
      %get3A = arith.index_cast %scan3A_64 : i32 to index
      %get3A_83 = arith.constant 0 : index
      %get3A_84 = tpu.vector_load %arg11[%get3A, %get3A_83] {strides = array<i32>} : memref<40x64xf32, #tpu.memory_space<vmem>>, vector<16xf32>,
      %get3A_85 = arith.index_cast %scan3A_64 : i32 to index
      %get3A_86 = arith.constant 16 : index
      %get3A_87 = tpu.vector_load %arg11[%get3A_85, %get3A_86] {strides = array<i32>} : memref<40x64xf32, #tpu.memory_space<vmem>>, vector<16xf32>,
      %get3A_88 = arith.index_cast %scan3A_64 : i32 to index
      %get3A_89 = arith.constant 32 : index
      %get3A_90 = tpu.vector_load %arg11[%get3A_88, %get3A_89] {strides = array<i32>} : memref<40x64xf32, #tpu.memory_space<vmem>>, vector<16xf32>,
      %get3A_91 = arith.index_cast %scan3A_64 : i32 to index
      %get3A_92 = arith.constant 48 : index
      %get3A_93 = tpu.vector_load %arg11[%get3A_91, %get3A_92] {strides = array<i32>} : memref<40x64xf32, #tpu.memory_space<vmem>>, vector<16xf32>,
      %scan3A_94 = arith.constant 0 : i32
      %scan3A_95 = arith.constant 0 : i32
      %scan3A_96 = arith.constant 32 : i32
      %scan3A_97 = arith.addi %scan3A_95, %scan3A_96 : i32
      %scan3A_98 = arith.constant 1 : i32
      scf.for %scan3A_184 = %scan3A_95 to %scan3A_97 step %scan3A_98  : i32 {
        %mul3A_185 = arith.constant 8 : i32
        %mul3A_186 = arith.muli %scan3A_184, %mul3A_185 : i32
        %add3A_187 = arith.constant 0 : i32
        %add3A_188 = arith.addi %mul3A_186, %add3A_187 : i32
        %shift_right_arithmetic3A_189 = arith.constant 7 : i32
        %shift_right_arithmetic3A_190 = arith.shrsi %add3A_188, %shift_right_arithmetic3A_189 : i32
        %add3A_191 = vector.broadcast %shift_right_arithmetic3A_190 : i32 to vector<16xi32>
        %add3A_192 = arith.addi %mul3A_30, %add3A_191 : vector<16xi32>
        %and3A_193 = arith.constant 127 : i32
        %and3A_194 = arith.andi %add3A_188, %and3A_193 : i32
        %add3A_195 = vector.broadcast %and3A_194 : i32 to vector<16xi32>
        %add3A_196 = arith.addi %mul3A_30, %add3A_195 : vector<16xi32>
        %get3A_197 = arith.index_cast %add3A_188 : i32 to index
        %get3A_198 = arith.constant 0 : index
        %get3A_199 = tpu.vector_load %arg7[%get3A_197, %get3A_198] {strides = array<i32>} : memref<256x64xf32, #tpu.memory_space<vmem>>, vector<16xf32>,
        %add3A_200 = arith.addf %get3A_199, %get3A_84 : vector<16xf32>
        tpu.vector_store_idx %arg9[%add3A_7, %add3A_192, %and3A_27, %add3A_196], %add3A_200 : memref<8x2x8x129xf32, #tpu.memory_space<vmem>>[vector<16xi32>, vector<16xi32>, vector<16xi32>, vector<16xi32>], vector<16xf32>,
        %get3A_201 = arith.index_cast %add3A_188 : i32 to index
        %get3A_202 = arith.constant 16 : index
        %get3A_203 = tpu.vector_load %arg7[%get3A_201, %get3A_202] {strides = array<i32>} : memref<256x64xf32, #tpu.memory_space<vmem>>, vector<16xf32>,
        %add3A_204 = arith.addf %get3A_203, %get3A_87 : vector<16xf32>
        tpu.vector_store_idx %arg9[%add3A_13, %add3A_192, %and3A_27, %add3A_196], %add3A_204 : memref<8x2x8x129xf32, #tpu.memory_space<vmem>>[vector<16xi32>, vector<16xi32>, vector<16xi32>, vector<16xi32>], vector<16xf32>,
        %get3A_205 = arith.index_cast %add3A_188 : i32 to index
        %get3A_206 = arith.constant 32 : index
        %get3A_207 = tpu.vector_load %arg7[%get3A_205, %get3A_206] {strides = array<i32>} : memref<256x64xf32, #tpu.memory_space<vmem>>, vector<16xf32>,
        %add3A_208 = arith.addf %get3A_207, %get3A_90 : vector<16xf32>
        tpu.vector_store_idx %arg9[%add3A_19, %add3A_192, %and3A_27, %add3A_196], %add3A_208 : memref<8x2x8x129xf32, #tpu.memory_space<vmem>>[vector<16xi32>, vector<16xi32>, vector<16xi32>, vector<16xi32>], vector<16xf32>,
        %get3A_209 = arith.index_cast %add3A_188 : i32 to index
        %get3A_210 = arith.constant 48 : index
        %get3A_211 = tpu.vector_load %arg7[%get3A_209, %get3A_210] {strides = array<i32>} : memref<256x64xf32, #tpu.memory_space<vmem>>, vector<16xf32>,
        %add3A_212 = arith.addf %get3A_211, %get3A_93 : vector<16xf32>
        tpu.vector_store_idx %arg9[%add3A_25, %add3A_192, %and3A_27, %add3A_196], %add3A_212 : memref<8x2x8x129xf32, #tpu.memory_space<vmem>>[vector<16xi32>, vector<16xi32>, vector<16xi32>, vector<16xi32>], vector<16xf32>,
        %mul3A_213 = arith.constant 8 : i32
        %mul3A_214 = arith.muli %scan3A_184, %mul3A_213 : i32
        %add3A_215 = arith.constant 1 : i32
        %add3A_216 = arith.addi %mul3A_214, %add3A_215 : i32
        %shift_right_arithmetic3A_217 = arith.constant 7 : i32
        %shift_right_arithmetic3A_218 = arith.shrsi %add3A_216, %shift_right_arithmetic3A_217 : i32
        %add3A_219 = vector.broadcast %shift_right_arithmetic3A_218 : i32 to vector<16xi32>
        %add3A_220 = arith.addi %mul3A_30, %add3A_219 : vector<16xi32>
        %and3A_221 = arith.constant 127 : i32
        %and3A_222 = arith.andi %add3A_216, %and3A_221 : i32
        %add3A_223 = vector.broadcast %and3A_222 : i32 to vector<16xi32>
        %add3A_224 = arith.addi %mul3A_30, %add3A_223 : vector<16xi32>
        %get3A_225 = arith.index_cast %add3A_216 : i32 to index
        %get3A_226 = arith.constant 0 : index
        %get3A_227 = tpu.vector_load %arg7[%get3A_225, %get3A_226] {strides = array<i32>} : memref<256x64xf32, #tpu.memory_space<vmem>>, vector<16xf32>,
        %add3A_228 = arith.addf %get3A_227, %get3A_84 : vector<16xf32>
        tpu.vector_store_idx %arg9[%add3A_7, %add3A_220, %and3A_27, %add3A_224], %add3A_228 : memref<8x2x8x129xf32, #tpu.memory_space<vmem>>[vector<16xi32>, vector<16xi32>, vector<16xi32>, vector<16xi32>], vector<16xf32>,
        %get3A_229 = arith.index_cast %add3A_216 : i32 to index
        %get3A_230 = arith.constant 16 : index
        %get3A_231 = tpu.vector_load %arg7[%get3A_229, %get3A_230] {strides = array<i32>} : memref<256x64xf32, #tpu.memory_space<vmem>>, vector<16xf32>,
        %add3A_232 = arith.addf %get3A_231, %get3A_87 : vector<16xf32>
        tpu.vector_store_idx %arg9[%add3A_13, %add3A_220, %and3A_27, %add3A_224], %add3A_232 : memref<8x2x8x129xf32, #tpu.memory_space<vmem>>[vector<16xi32>, vector<16xi32>, vector<16xi32>, vector<16xi32>], vector<16xf32>,
        %get3A_233 = arith.index_cast %add3A_216 : i32 to index
        %get3A_234 = arith.constant 32 : index
        %get3A_235 = tpu.vector_load %arg7[%get3A_233, %get3A_234] {strides = array<i32>} : memref<256x64xf32, #tpu.memory_space<vmem>>, vector<16xf32>,
        %add3A_236 = arith.addf %get3A_235, %get3A_90 : vector<16xf32>
        tpu.vector_store_idx %arg9[%add3A_19, %add3A_220, %and3A_27, %add3A_224], %add3A_236 : memref<8x2x8x129xf32, #tpu.memory_space<vmem>>[vector<16xi32>, vector<16xi32>, vector<16xi32>, vector<16xi32>], vector<16xf32>,
        %get3A_237 = arith.index_cast %add3A_216 : i32 to index
        %get3A_238 = arith.constant 48 : index
        %get3A_239 = tpu.vector_load %arg7[%get3A_237, %get3A_238] {strides = array<i32>} : memref<256x64xf32, #tpu.memory_space<vmem>>, vector<16xf32>,
        %add3A_240 = arith.addf %get3A_239, %get3A_93 : vector<16xf32>
        tpu.vector_store_idx %arg9[%add3A_25, %add3A_220, %and3A_27, %add3A_224], %add3A_240 : memref<8x2x8x129xf32, #tpu.memory_space<vmem>>[vector<16xi32>, vector<16xi32>, vector<16xi32>, vector<16xi32>], vector<16xf32>,
        %mul3A_241 = arith.constant 8 : i32
        %mul3A_242 = arith.muli %scan3A_184, %mul3A_241 : i32
        %add3A_243 = arith.constant 2 : i32
        %add3A_244 = arith.addi %mul3A_242, %add3A_243 : i32
        %shift_right_arithmetic3A_245 = arith.constant 7 : i32
        %shift_right_arithmetic3A_246 = arith.shrsi %add3A_244, %shift_right_arithmetic3A_245 : i32
        %add3A_247 = vector.broadcast %shift_right_arithmetic3A_246 : i32 to vector<16xi32>
        %add3A_248 = arith.addi %mul3A_30, %add3A_247 : vector<16xi32>
        %and3A_249 = arith.constant 127 : i32
        %and3A_250 = arith.andi %add3A_244, %and3A_249 : i32
        %add3A_251 = vector.broadcast %and3A_250 : i32 to vector<16xi32>
        %add3A_252 = arith.addi %mul3A_30, %add3A_251 : vector<16xi32>
        %get3A_253 = arith.index_cast %add3A_244 : i32 to index
        %get3A_254 = arith.constant 0 : index
        %get3A_255 = tpu.vector_load %arg7[%get3A_253, %get3A_254] {strides = array<i32>} : memref<256x64xf32, #tpu.memory_space<vmem>>, vector<16xf32>,
        %add3A_256 = arith.addf %get3A_255, %get3A_84 : vector<16xf32>
        tpu.vector_store_idx %arg9[%add3A_7, %add3A_248, %and3A_27, %add3A_252], %add3A_256 : memref<8x2x8x129xf32, #tpu.memory_space<vmem>>[vector<16xi32>, vector<16xi32>, vector<16xi32>, vector<16xi32>], vector<16xf32>,
        %get3A_257 = arith.index_cast %add3A_244 : i32 to index
        %get3A_258 = arith.constant 16 : index
        %get3A_259 = tpu.vector_load %arg7[%get3A_257, %get3A_258] {strides = array<i32>} : memref<256x64xf32, #tpu.memory_space<vmem>>, vector<16xf32>,
        %add3A_260 = arith.addf %get3A_259, %get3A_87 : vector<16xf32>
        tpu.vector_store_idx %arg9[%add3A_13, %add3A_248, %and3A_27, %add3A_252], %add3A_260 : memref<8x2x8x129xf32, #tpu.memory_space<vmem>>[vector<16xi32>, vector<16xi32>, vector<16xi32>, vector<16xi32>], vector<16xf32>,
        %get3A_261 = arith.index_cast %add3A_244 : i32 to index
        %get3A_262 = arith.constant 32 : index
        %get3A_263 = tpu.vector_load %arg7[%get3A_261, %get3A_262] {strides = array<i32>} : memref<256x64xf32, #tpu.memory_space<vmem>>, vector<16xf32>,
        %add3A_264 = arith.addf %get3A_263, %get3A_90 : vector<16xf32>
        tpu.vector_store_idx %arg9[%add3A_19, %add3A_248, %and3A_27, %add3A_252], %add3A_264 : memref<8x2x8x129xf32, #tpu.memory_space<vmem>>[vector<16xi32>, vector<16xi32>, vector<16xi32>, vector<16xi32>], vector<16xf32>,
        %get3A_265 = arith.index_cast %add3A_244 : i32 to index
        %get3A_266 = arith.constant 48 : index
        %get3A_267 = tpu.vector_load %arg7[%get3A_265, %get3A_266] {strides = array<i32>} : memref<256x64xf32, #tpu.memory_space<vmem>>, vector<16xf32>,
        %add3A_268 = arith.addf %get3A_267, %get3A_93 : vector<16xf32>
        tpu.vector_store_idx %arg9[%add3A_25, %add3A_248, %and3A_27, %add3A_252], %add3A_268 : memref<8x2x8x129xf32, #tpu.memory_space<vmem>>[vector<16xi32>, vector<16xi32>, vector<16xi32>, vector<16xi32>], vector<16xf32>,
        %mul3A_269 = arith.constant 8 : i32
        %mul3A_270 = arith.muli %scan3A_184, %mul3A_269 : i32
        %add3A_271 = arith.constant 3 : i32
        %add3A_272 = arith.addi %mul3A_270, %add3A_271 : i32
        %shift_right_arithmetic3A_273 = arith.constant 7 : i32
        %shift_right_arithmetic3A_274 = arith.shrsi %add3A_272, %shift_right_arithmetic3A_273 : i32
        %add3A_275 = vector.broadcast %shift_right_arithmetic3A_274 : i32 to vector<16xi32>
        %add3A_276 = arith.addi %mul3A_30, %add3A_275 : vector<16xi32>
        %and3A_277 = arith.constant 127 : i32
        %and3A_278 = arith.andi %add3A_272, %and3A_277 : i32
        %add3A_279 = vector.broadcast %and3A_278 : i32 to vector<16xi32>
        %add3A_280 = arith.addi %mul3A_30, %add3A_279 : vector<16xi32>
        %get3A_281 = arith.index_cast %add3A_272 : i32 to index
        %get3A_282 = arith.constant 0 : index
        %get3A_283 = tpu.vector_load %arg7[%get3A_281, %get3A_282] {strides = array<i32>} : memref<256x64xf32, #tpu.memory_space<vmem>>, vector<16xf32>,
        %add3A_284 = arith.addf %get3A_283, %get3A_84 : vector<16xf32>
        tpu.vector_store_idx %arg9[%add3A_7, %add3A_276, %and3A_27, %add3A_280], %add3A_284 : memref<8x2x8x129xf32, #tpu.memory_space<vmem>>[vector<16xi32>, vector<16xi32>, vector<16xi32>, vector<16xi32>], vector<16xf32>,
        %get3A_285 = arith.index_cast %add3A_272 : i32 to index
        %get3A_286 = arith.constant 16 : index
        %get3A_287 = tpu.vector_load %arg7[%get3A_285, %get3A_286] {strides = array<i32>} : memref<256x64xf32, #tpu.memory_space<vmem>>, vector<16xf32>,
        %add3A_288 = arith.addf %get3A_287, %get3A_87 : vector<16xf32>
        tpu.vector_store_idx %arg9[%add3A_13, %add3A_276, %and3A_27, %add3A_280], %add3A_288 : memref<8x2x8x129xf32, #tpu.memory_space<vmem>>[vector<16xi32>, vector<16xi32>, vector<16xi32>, vector<16xi32>], vector<16xf32>,
        %get3A_289 = arith.index_cast %add3A_272 : i32 to index
        %get3A_290 = arith.constant 32 : index
        %get3A_291 = tpu.vector_load %arg7[%get3A_289, %get3A_290] {strides = array<i32>} : memref<256x64xf32, #tpu.memory_space<vmem>>, vector<16xf32>,
        %add3A_292 = arith.addf %get3A_291, %get3A_90 : vector<16xf32>
        tpu.vector_store_idx %arg9[%add3A_19, %add3A_276, %and3A_27, %add3A_280], %add3A_292 : memref<8x2x8x129xf32, #tpu.memory_space<vmem>>[vector<16xi32>, vector<16xi32>, vector<16xi32>, vector<16xi32>], vector<16xf32>,
        %get3A_293 = arith.index_cast %add3A_272 : i32 to index
        %get3A_294 = arith.constant 48 : index
        %get3A_295 = tpu.vector_load %arg7[%get3A_293, %get3A_294] {strides = array<i32>} : memref<256x64xf32, #tpu.memory_space<vmem>>, vector<16xf32>,
        %add3A_296 = arith.addf %get3A_295, %get3A_93 : vector<16xf32>
        tpu.vector_store_idx %arg9[%add3A_25, %add3A_276, %and3A_27, %add3A_280], %add3A_296 : memref<8x2x8x129xf32, #tpu.memory_space<vmem>>[vector<16xi32>, vector<16xi32>, vector<16xi32>, vector<16xi32>], vector<16xf32>,
        %mul3A_297 = arith.constant 8 : i32
        %mul3A_298 = arith.muli %scan3A_184, %mul3A_297 : i32
        %add3A_299 = arith.constant 4 : i32
        %add3A_300 = arith.addi %mul3A_298, %add3A_299 : i32
        %shift_right_arithmetic3A_301 = arith.constant 7 : i32
        %shift_right_arithmetic3A_302 = arith.shrsi %add3A_300, %shift_right_arithmetic3A_301 : i32
        %add3A_303 = vector.broadcast %shift_right_arithmetic3A_302 : i32 to vector<16xi32>
        %add3A_304 = arith.addi %mul3A_30, %add3A_303 : vector<16xi32>
        %and3A_305 = arith.constant 127 : i32
        %and3A_306 = arith.andi %add3A_300, %and3A_305 : i32
        %add3A_307 = vector.broadcast %and3A_306 : i32 to vector<16xi32>
        %add3A_308 = arith.addi %mul3A_30, %add3A_307 : vector<16xi32>
        %get3A_309 = arith.index_cast %add3A_300 : i32 to index
        %get3A_310 = arith.constant 0 : index
        %get3A_311 = tpu.vector_load %arg7[%get3A_309, %get3A_310] {strides = array<i32>} : memref<256x64xf32, #tpu.memory_space<vmem>>, vector<16xf32>,
        %add3A_312 = arith.addf %get3A_311, %get3A_84 : vector<16xf32>
        tpu.vector_store_idx %arg9[%add3A_7, %add3A_304, %and3A_27, %add3A_308], %add3A_312 : memref<8x2x8x129xf32, #tpu.memory_space<vmem>>[vector<16xi32>, vector<16xi32>, vector<16xi32>, vector<16xi32>], vector<16xf32>,
        %get3A_313 = arith.index_cast %add3A_300 : i32 to index
        %get3A_314 = arith.constant 16 : index
        %get3A_315 = tpu.vector_load %arg7[%get3A_313, %get3A_314] {strides = array<i32>} : memref<256x64xf32, #tpu.memory_space<vmem>>, vector<16xf32>,
        %add3A_316 = arith.addf %get3A_315, %get3A_87 : vector<16xf32>
        tpu.vector_store_idx %arg9[%add3A_13, %add3A_304, %and3A_27, %add3A_308], %add3A_316 : memref<8x2x8x129xf32, #tpu.memory_space<vmem>>[vector<16xi32>, vector<16xi32>, vector<16xi32>, vector<16xi32>], vector<16xf32>,
        %get3A_317 = arith.index_cast %add3A_300 : i32 to index
        %get3A_318 = arith.constant 32 : index
        %get3A_319 = tpu.vector_load %arg7[%get3A_317, %get3A_318] {strides = array<i32>} : memref<256x64xf32, #tpu.memory_space<vmem>>, vector<16xf32>,
        %add3A_320 = arith.addf %get3A_319, %get3A_90 : vector<16xf32>
        tpu.vector_store_idx %arg9[%add3A_19, %add3A_304, %and3A_27, %add3A_308], %add3A_320 : memref<8x2x8x129xf32, #tpu.memory_space<vmem>>[vector<16xi32>, vector<16xi32>, vector<16xi32>, vector<16xi32>], vector<16xf32>,
        %get3A_321 = arith.index_cast %add3A_300 : i32 to index
        %get3A_322 = arith.constant 48 : index
        %get3A_323 = tpu.vector_load %arg7[%get3A_321, %get3A_322] {strides = array<i32>} : memref<256x64xf32, #tpu.memory_space<vmem>>, vector<16xf32>,
        %add3A_324 = arith.addf %get3A_323, %get3A_93 : vector<16xf32>
        tpu.vector_store_idx %arg9[%add3A_25, %add3A_304, %and3A_27, %add3A_308], %add3A_324 : memref<8x2x8x129xf32, #tpu.memory_space<vmem>>[vector<16xi32>, vector<16xi32>, vector<16xi32>, vector<16xi32>], vector<16xf32>,
        %mul3A_325 = arith.constant 8 : i32
        %mul3A_326 = arith.muli %scan3A_184, %mul3A_325 : i32
        %add3A_327 = arith.constant 5 : i32
        %add3A_328 = arith.addi %mul3A_326, %add3A_327 : i32
        %shift_right_arithmetic3A_329 = arith.constant 7 : i32
        %shift_right_arithmetic3A_330 = arith.shrsi %add3A_328, %shift_right_arithmetic3A_329 : i32
        %add3A_331 = vector.broadcast %shift_right_arithmetic3A_330 : i32 to vector<16xi32>
        %add3A_332 = arith.addi %mul3A_30, %add3A_331 : vector<16xi32>
        %and3A_333 = arith.constant 127 : i32
        %and3A_334 = arith.andi %add3A_328, %and3A_333 : i32
        %add3A_335 = vector.broadcast %and3A_334 : i32 to vector<16xi32>
        %add3A_336 = arith.addi %mul3A_30, %add3A_335 : vector<16xi32>
        %get3A_337 = arith.index_cast %add3A_328 : i32 to index
        %get3A_338 = arith.constant 0 : index
        %get3A_339 = tpu.vector_load %arg7[%get3A_337, %get3A_338] {strides = array<i32>} : memref<256x64xf32, #tpu.memory_space<vmem>>, vector<16xf32>,
        %add3A_340 = arith.addf %get3A_339, %get3A_84 : vector<16xf32>
        tpu.vector_store_idx %arg9[%add3A_7, %add3A_332, %and3A_27, %add3A_336], %add3A_340 : memref<8x2x8x129xf32, #tpu.memory_space<vmem>>[vector<16xi32>, vector<16xi32>, vector<16xi32>, vector<16xi32>], vector<16xf32>,
        %get3A_341 = arith.index_cast %add3A_328 : i32 to index
        %get3A_342 = arith.constant 16 : index
        %get3A_343 = tpu.vector_load %arg7[%get3A_341, %get3A_342] {strides = array<i32>} : memref<256x64xf32, #tpu.memory_space<vmem>>, vector<16xf32>,
        %add3A_344 = arith.addf %get3A_343, %get3A_87 : vector<16xf32>
        tpu.vector_store_idx %arg9[%add3A_13, %add3A_332, %and3A_27, %add3A_336], %add3A_344 : memref<8x2x8x129xf32, #tpu.memory_space<vmem>>[vector<16xi32>, vector<16xi32>, vector<16xi32>, vector<16xi32>], vector<16xf32>,
        %get3A_345 = arith.index_cast %add3A_328 : i32 to index
        %get3A_346 = arith.constant 32 : index
        %get3A_347 = tpu.vector_load %arg7[%get3A_345, %get3A_346] {strides = array<i32>} : memref<256x64xf32, #tpu.memory_space<vmem>>, vector<16xf32>,
        %add3A_348 = arith.addf %get3A_347, %get3A_90 : vector<16xf32>
        tpu.vector_store_idx %arg9[%add3A_19, %add3A_332, %and3A_27, %add3A_336], %add3A_348 : memref<8x2x8x129xf32, #tpu.memory_space<vmem>>[vector<16xi32>, vector<16xi32>, vector<16xi32>, vector<16xi32>], vector<16xf32>,
        %get3A_349 = arith.index_cast %add3A_328 : i32 to index
        %get3A_350 = arith.constant 48 : index
        %get3A_351 = tpu.vector_load %arg7[%get3A_349, %get3A_350] {strides = array<i32>} : memref<256x64xf32, #tpu.memory_space<vmem>>, vector<16xf32>,
        %add3A_352 = arith.addf %get3A_351, %get3A_93 : vector<16xf32>
        tpu.vector_store_idx %arg9[%add3A_25, %add3A_332, %and3A_27, %add3A_336], %add3A_352 : memref<8x2x8x129xf32, #tpu.memory_space<vmem>>[vector<16xi32>, vector<16xi32>, vector<16xi32>, vector<16xi32>], vector<16xf32>,
        %mul3A_353 = arith.constant 8 : i32
        %mul3A_354 = arith.muli %scan3A_184, %mul3A_353 : i32
        %add3A_355 = arith.constant 6 : i32
        %add3A_356 = arith.addi %mul3A_354, %add3A_355 : i32
        %shift_right_arithmetic3A_357 = arith.constant 7 : i32
        %shift_right_arithmetic3A_358 = arith.shrsi %add3A_356, %shift_right_arithmetic3A_357 : i32
        %add3A_359 = vector.broadcast %shift_right_arithmetic3A_358 : i32 to vector<16xi32>
        %add3A_360 = arith.addi %mul3A_30, %add3A_359 : vector<16xi32>
        %and3A_361 = arith.constant 127 : i32
        %and3A_362 = arith.andi %add3A_356, %and3A_361 : i32
        %add3A_363 = vector.broadcast %and3A_362 : i32 to vector<16xi32>
        %add3A_364 = arith.addi %mul3A_30, %add3A_363 : vector<16xi32>
        %get3A_365 = arith.index_cast %add3A_356 : i32 to index
        %get3A_366 = arith.constant 0 : index
        %get3A_367 = tpu.vector_load %arg7[%get3A_365, %get3A_366] {strides = array<i32>} : memref<256x64xf32, #tpu.memory_space<vmem>>, vector<16xf32>,
        %add3A_368 = arith.addf %get3A_367, %get3A_84 : vector<16xf32>
        tpu.vector_store_idx %arg9[%add3A_7, %add3A_360, %and3A_27, %add3A_364], %add3A_368 : memref<8x2x8x129xf32, #tpu.memory_space<vmem>>[vector<16xi32>, vector<16xi32>, vector<16xi32>, vector<16xi32>], vector<16xf32>,
        %get3A_369 = arith.index_cast %add3A_356 : i32 to index
        %get3A_370 = arith.constant 16 : index
        %get3A_371 = tpu.vector_load %arg7[%get3A_369, %get3A_370] {strides = array<i32>} : memref<256x64xf32, #tpu.memory_space<vmem>>, vector<16xf32>,
        %add3A_372 = arith.addf %get3A_371, %get3A_87 : vector<16xf32>
        tpu.vector_store_idx %arg9[%add3A_13, %add3A_360, %and3A_27, %add3A_364], %add3A_372 : memref<8x2x8x129xf32, #tpu.memory_space<vmem>>[vector<16xi32>, vector<16xi32>, vector<16xi32>, vector<16xi32>], vector<16xf32>,
        %get3A_373 = arith.index_cast %add3A_356 : i32 to index
        %get3A_374 = arith.constant 32 : index
        %get3A_375 = tpu.vector_load %arg7[%get3A_373, %get3A_374] {strides = array<i32>} : memref<256x64xf32, #tpu.memory_space<vmem>>, vector<16xf32>,
        %add3A_376 = arith.addf %get3A_375, %get3A_90 : vector<16xf32>
        tpu.vector_store_idx %arg9[%add3A_19, %add3A_360, %and3A_27, %add3A_364], %add3A_376 : memref<8x2x8x129xf32, #tpu.memory_space<vmem>>[vector<16xi32>, vector<16xi32>, vector<16xi32>, vector<16xi32>], vector<16xf32>,
        %get3A_377 = arith.index_cast %add3A_356 : i32 to index
        %get3A_378 = arith.constant 48 : index
        %get3A_379 = tpu.vector_load %arg7[%get3A_377, %get3A_378] {strides = array<i32>} : memref<256x64xf32, #tpu.memory_space<vmem>>, vector<16xf32>,
        %add3A_380 = arith.addf %get3A_379, %get3A_93 : vector<16xf32>
        tpu.vector_store_idx %arg9[%add3A_25, %add3A_360, %and3A_27, %add3A_364], %add3A_380 : memref<8x2x8x129xf32, #tpu.memory_space<vmem>>[vector<16xi32>, vector<16xi32>, vector<16xi32>, vector<16xi32>], vector<16xf32>,
        %mul3A_381 = arith.constant 8 : i32
        %mul3A_382 = arith.muli %scan3A_184, %mul3A_381 : i32
        %add3A_383 = arith.constant 7 : i32
        %add3A_384 = arith.addi %mul3A_382, %add3A_383 : i32
        %shift_right_arithmetic3A_385 = arith.constant 7 : i32
        %shift_right_arithmetic3A_386 = arith.shrsi %add3A_384, %shift_right_arithmetic3A_385 : i32
        %add3A_387 = vector.broadcast %shift_right_arithmetic3A_386 : i32 to vector<16xi32>
        %add3A_388 = arith.addi %mul3A_30, %add3A_387 : vector<16xi32>
        %and3A_389 = arith.constant 127 : i32
        %and3A_390 = arith.andi %add3A_384, %and3A_389 : i32
        %add3A_391 = vector.broadcast %and3A_390 : i32 to vector<16xi32>
        %add3A_392 = arith.addi %mul3A_30, %add3A_391 : vector<16xi32>
        %get3A_393 = arith.index_cast %add3A_384 : i32 to index
        %get3A_394 = arith.constant 0 : index
        %get3A_395 = tpu.vector_load %arg7[%get3A_393, %get3A_394] {strides = array<i32>} : memref<256x64xf32, #tpu.memory_space<vmem>>, vector<16xf32>,
        %add3A_396 = arith.addf %get3A_395, %get3A_84 : vector<16xf32>
        tpu.vector_store_idx %arg9[%add3A_7, %add3A_388, %and3A_27, %add3A_392], %add3A_396 : memref<8x2x8x129xf32, #tpu.memory_space<vmem>>[vector<16xi32>, vector<16xi32>, vector<16xi32>, vector<16xi32>], vector<16xf32>,
        %get3A_397 = arith.index_cast %add3A_384 : i32 to index
        %get3A_398 = arith.constant 16 : index
        %get3A_399 = tpu.vector_load %arg7[%get3A_397, %get3A_398] {strides = array<i32>} : memref<256x64xf32, #tpu.memory_space<vmem>>, vector<16xf32>,
        %add3A_400 = arith.addf %get3A_399, %get3A_87 : vector<16xf32>
        tpu.vector_store_idx %arg9[%add3A_13, %add3A_388, %and3A_27, %add3A_392], %add3A_400 : memref<8x2x8x129xf32, #tpu.memory_space<vmem>>[vector<16xi32>, vector<16xi32>, vector<16xi32>, vector<16xi32>], vector<16xf32>,
        %get3A_401 = arith.index_cast %add3A_384 : i32 to index
        %get3A_402 = arith.constant 32 : index
        %get3A_403 = tpu.vector_load %arg7[%get3A_401, %get3A_402] {strides = array<i32>} : memref<256x64xf32, #tpu.memory_space<vmem>>, vector<16xf32>,
        %add3A_404 = arith.addf %get3A_403, %get3A_90 : vector<16xf32>
        tpu.vector_store_idx %arg9[%add3A_19, %add3A_388, %and3A_27, %add3A_392], %add3A_404 : memref<8x2x8x129xf32, #tpu.memory_space<vmem>>[vector<16xi32>, vector<16xi32>, vector<16xi32>, vector<16xi32>], vector<16xf32>,
        %get3A_405 = arith.index_cast %add3A_384 : i32 to index
        %get3A_406 = arith.constant 48 : index
        %get3A_407 = tpu.vector_load %arg7[%get3A_405, %get3A_406] {strides = array<i32>} : memref<256x64xf32, #tpu.memory_space<vmem>>, vector<16xf32>,
        %add3A_408 = arith.addf %get3A_407, %get3A_93 : vector<16xf32>
        tpu.vector_store_idx %arg9[%add3A_25, %add3A_388, %and3A_27, %add3A_392], %add3A_408 : memref<8x2x8x129xf32, #tpu.memory_space<vmem>>[vector<16xi32>, vector<16xi32>, vector<16xi32>, vector<16xi32>], vector<16xf32>,
      }
      %scan3A_99 = arith.constant 32 : i32
      %add3A_100 = arith.constant 0 : i32
      %add3A_101 = arith.addi %mul3A_2, %add3A_100 : i32
      %dma_start3A_102 = arith.constant 0 : i32
      %dma_start3A_103 = arith.constant 0 : i32
      %dma_start3A_104 = arith.constant 0 : i32
      %dma_start3A_105 = arith.constant 0 : i32
      %dma_start3A_106 = tpu.memref_slice %arg9[%dma_start3A_102, %dma_start3A_103, %dma_start3A_104, %dma_start3A_105] : memref<8x2x8x129xf32, #tpu.memory_space<vmem>> -> memref<8x2x8x128xf32, #tpu.memory_space<vmem>>
      %dma_start3A_107 = arith.constant 0 : i32
      %dma_start3A_108 = arith.constant 0 : i32
      %dma_start3A_109 = arith.constant 0 : i32
      %dma_start3A_110 = tpu.memref_slice %arg5[%scan3A_64, %dma_start3A_107, %add3A_101, %dma_start3A_108, %dma_start3A_109] : memref<40x8x128x8x128xf32, #tpu.memory_space<hbm>> -> memref<1x8x2x8x128xf32, #tpu.memory_space<hbm>>
      %dma_start3A_111 = tpu.memref_squeeze %dma_start3A_110 : memref<1x8x2x8x128xf32, #tpu.memory_space<hbm>> -> memref<8x2x8x128xf32, #tpu.memory_space<hbm>>
      %dma_start3A_112 = arith.constant 0 : i32
      %dma_start3A_113 = arith.constant 0 : i32
      %dma_start3A_114 = arith.constant 0 : i32
      %dma_start3A_115 = tpu.memref_slice %arg5[%scan3A_64, %dma_start3A_112, %add3A_101, %dma_start3A_113, %dma_start3A_114] : memref<40x8x128x8x128xf32, #tpu.memory_space<hbm>> -> memref<1x8x2x8x128xf32, #tpu.memory_space<hbm>>
      %dma_start3A_116 = tpu.memref_squeeze %dma_start3A_115 : memref<1x8x2x8x128xf32, #tpu.memory_space<hbm>> -> memref<8x2x8x128xf32, #tpu.memory_space<hbm>>
      %dma_start3A_117 = arith.constant 0 : i32
      %dma_start3A_118 = arith.constant 0 : i32
      %dma_start3A_119 = arith.constant 0 : i32
      %dma_start3A_120 = arith.constant 0 : i32
      %dma_start3A_121 = tpu.memref_slice %arg9[%dma_start3A_117, %dma_start3A_118, %dma_start3A_119, %dma_start3A_120] : memref<8x2x8x129xf32, #tpu.memory_space<vmem>> -> memref<8x2x8x128xf32, #tpu.memory_space<vmem>>
      tpu.enqueue_dma source(%dma_start3A_121 : memref<8x2x8x128xf32, #tpu.memory_space<vmem>>) target(%dma_start3A_116 : memref<8x2x8x128xf32, #tpu.memory_space<hbm>>) target_semaphore(%arg14 : memref<!tpu.dma_semaphore, #tpu.memory_space<semaphore_mem>>)
      %mul3A_122 = arith.constant 2 : i32
      %mul3A_123 = arith.muli %mul3A_122, %scan3A_64 : i32
      %add3A_124 = arith.constant 1 : i32
      %add3A_125 = arith.addi %mul3A_123, %add3A_124 : i32
      %add3A_126 = arith.constant 1 : i32
      %add3A_127 = arith.addi %add3A_125, %add3A_126 : i32
      %lt3A_128 = arith.constant 80 : i32
      %lt3A_129 = arith.cmpi slt, %add3A_127, %lt3A_128 : i32
      %convert_element_type3A_130 = arith.extui %lt3A_129 : i1 to i32
      %cond3A_131 = arith.constant 0 : i32
      %cond3A_132 = arith.cmpi ne, %convert_element_type3A_130, %cond3A_131 : i32
      scf.if %cond3A_132 {
        %add3A_184 = arith.constant 1 : i32
        %add3A_185 = arith.addi %scan3A_64, %add3A_184 : i32
        %shift_right_arithmetic3A_186 = arith.constant 3 : i32
        %shift_right_arithmetic3A_187 = arith.shrsi %add3A_185, %shift_right_arithmetic3A_186 : i32
        %and3A_188 = arith.constant 7 : i32
        %and3A_189 = arith.andi %add3A_185, %and3A_188 : i32
        %dma_start3A_190 = arith.constant 0 : i32
        %dma_start3A_191 = arith.constant 0 : i32
        %dma_start3A_192 = arith.constant 0 : i32
        %dma_start3A_193 = tpu.memref_slice %arg7[%dma_start3A_191, %dma_start3A_192] : memref<256x64xf32, #tpu.memory_space<vmem>> -> memref<128x64xf32, #tpu.memory_space<vmem>>
        %dma_start3A_194 = arith.constant 0 : i32
        %dma_start3A_195 = tpu.memref_slice %arg6[%shift_right_arithmetic3A_187, %dma_start3A_190, %and3A_189, %dma_start3A_194] : memref<5x4x8x128xi32, #tpu.memory_space<vmem>> -> memref<1x1x1x128xi32, #tpu.memory_space<vmem>>
        %dma_start3A_196 = tpu.memref_squeeze %dma_start3A_195 : memref<1x1x1x128xi32, #tpu.memory_space<vmem>> -> memref<128xi32, #tpu.memory_space<vmem>>
        %dma_start3A_197 = arith.constant 0 : i32
        %dma_start3A_198 = arith.constant 0 : i32
        %dma_start3A_199 = tpu.memref_slice %arg2[%dma_start3A_197, %dma_start3A_198] : memref<1000000x64xf32, #tpu.memory_space<hbm>> -> memref<1000000x64xf32, #tpu.memory_space<hbm>>
        tpu.enqueue_indirect_dma source(%dma_start3A_199 : memref<1000000x64xf32, #tpu.memory_space<hbm>>) target(%dma_start3A_193 : memref<128x64xf32, #tpu.memory_space<vmem>>) offsets(%dma_start3A_196 : memref<128xi32, #tpu.memory_space<vmem>>) semaphore(%arg12 : memref<!tpu.dma_semaphore, #tpu.memory_space<semaphore_mem>>)
        %shift_right_arithmetic3A_200 = arith.constant 3 : i32
        %shift_right_arithmetic3A_201 = arith.shrsi %add3A_185, %shift_right_arithmetic3A_200 : i32
        %and3A_202 = arith.constant 7 : i32
        %and3A_203 = arith.andi %add3A_185, %and3A_202 : i32
        %dma_start3A_204 = arith.constant 1 : i32
        %dma_start3A_205 = arith.constant 128 : i32
        %dma_start3A_206 = arith.constant 0 : i32
        %dma_start3A_207 = tpu.memref_slice %arg7[%dma_start3A_205, %dma_start3A_206] : memref<256x64xf32, #tpu.memory_space<vmem>> -> memref<128x64xf32, #tpu.memory_space<vmem>>
        %dma_start3A_208 = arith.constant 0 : i32
        %dma_start3A_209 = tpu.memref_slice %arg6[%shift_right_arithmetic3A_201, %dma_start3A_204, %and3A_203, %dma_start3A_208] : memref<5x4x8x128xi32, #tpu.memory_space<vmem>> -> memref<1x1x1x128xi32, #tpu.memory_space<vmem>>
        %dma_start3A_210 = tpu.memref_squeeze %dma_start3A_209 : memref<1x1x1x128xi32, #tpu.memory_space<vmem>> -> memref<128xi32, #tpu.memory_space<vmem>>
        %dma_start3A_211 = arith.constant 0 : i32
        %dma_start3A_212 = arith.constant 0 : i32
        %dma_start3A_213 = tpu.memref_slice %arg2[%dma_start3A_211, %dma_start3A_212] : memref<1000000x64xf32, #tpu.memory_space<hbm>> -> memref<1000000x64xf32, #tpu.memory_space<hbm>>
        tpu.enqueue_indirect_dma source(%dma_start3A_213 : memref<1000000x64xf32, #tpu.memory_space<hbm>>) target(%dma_start3A_207 : memref<128x64xf32, #tpu.memory_space<vmem>>) offsets(%dma_start3A_210 : memref<128xi32, #tpu.memory_space<vmem>>) semaphore(%arg12 : memref<!tpu.dma_semaphore, #tpu.memory_space<semaphore_mem>>)
      } else {
      }
      %ge3A_133 = arith.constant 1 : i32
      %ge3A_134 = arith.cmpi sge, %add3A_125, %ge3A_133 : i32
      %convert_element_type3A_135 = arith.extui %ge3A_134 : i1 to i32
      %cond3A_136 = arith.constant 0 : i32
      %cond3A_137 = arith.cmpi ne, %convert_element_type3A_135, %cond3A_136 : i32
      scf.if %cond3A_137 {
        %dma_wait3A_184 = arith.constant 0 : i32
        %dma_wait3A_185 = arith.constant 0 : i32
        %dma_wait3A_186 = tpu.memref_slice %arg2[%dma_wait3A_184, %dma_wait3A_185] : memref<1000000x64xf32, #tpu.memory_space<hbm>> -> memref<256x64xf32, #tpu.memory_space<hbm>>
        %dma_wait3A_187 = arith.constant 0 : i32
        %dma_wait3A_188 = arith.constant 0 : i32
        %dma_wait3A_189 = tpu.memref_slice %arg2[%dma_wait3A_187, %dma_wait3A_188] : memref<1000000x64xf32, #tpu.memory_space<hbm>> -> memref<256x64xf32, #tpu.memory_space<hbm>>
        tpu.wait_dma2 semaphore(%arg14 : memref<!tpu.dma_semaphore, #tpu.memory_space<semaphore_mem>>) src(%arg7 : memref<256x64xf32, #tpu.memory_space<vmem>>) dst(%dma_wait3A_189 : memref<256x64xf32, #tpu.memory_space<hbm>>)
      } else {
      }
      %dma_wait3A_138 = arith.constant 0 : i32
      %dma_wait3A_139 = arith.constant 0 : i32
      %dma_wait3A_140 = tpu.memref_slice %arg2[%dma_wait3A_138, %dma_wait3A_139] : memref<1000000x64xf32, #tpu.memory_space<hbm>> -> memref<256x64xf32, #tpu.memory_space<hbm>>
      %dma_wait3A_141 = arith.constant 0 : i32
      %dma_wait3A_142 = arith.constant 0 : i32
      %dma_wait3A_143 = tpu.memref_slice %arg2[%dma_wait3A_141, %dma_wait3A_142] : memref<1000000x64xf32, #tpu.memory_space<hbm>> -> memref<256x64xf32, #tpu.memory_space<hbm>>
      tpu.wait_dma2 semaphore(%arg13 : memref<!tpu.dma_semaphore, #tpu.memory_space<semaphore_mem>>) src(%dma_wait3A_143 : memref<256x64xf32, #tpu.memory_space<hbm>>) dst(%arg8 : memref<256x64xf32, #tpu.memory_space<vmem>>)
      %get3A_144 = arith.index_cast %scan3A_64 : i32 to index
      %get3A_145 = arith.constant 0 : index
      %get3A_146 = tpu.vector_load %arg11[%get3A_144, %get3A_145] {strides = array<i32>} : memref<40x64xf32, #tpu.memory_space<vmem>>, vector<16xf32>,
      %get3A_147 = arith.index_cast %scan3A_64 : i32 to index
      %get3A_148 = arith.constant 16 : index
      %get3A_149 = tpu.vector_load %arg11[%get3A_147, %get3A_148] {strides = array<i32>} : memref<40x64xf32, #tpu.memory_space<vmem>>, vector<16xf32>,
      %get3A_150 = arith.index_cast %scan3A_64 : i32 to index
      %get3A_151 = arith.constant 32 : index
      %get3A_152 = tpu.vector_load %arg11[%get3A_150, %get3A_151] {strides = array<i32>} : memref<40x64xf32, #tpu.memory_space<vmem>>, vector<16xf32>,
      %get3A_153 = arith.index_cast %scan3A_64 : i32 to index
      %get3A_154 = arith.constant 48 : index
      %get3A_155 = tpu.vector_load %arg11[%get3A_153, %get3A_154] {strides = array<i32>} : memref<40x64xf32, #tpu.memory_space<vmem>>, vector<16xf32>,
      %scan3A_156 = arith.constant 0 : i32
      %scan3A_157 = arith.constant 0 : i32
      %scan3A_158 = arith.constant 32 : i32
      %scan3A_159 = arith.addi %scan3A_157, %scan3A_158 : i32
      %scan3A_160 = arith.constant 1 : i32
      scf.for %scan3A_184 = %scan3A_157 to %scan3A_159 step %scan3A_160  : i32 {
        %mul3A_185 = arith.constant 8 : i32
        %mul3A_186 = arith.muli %scan3A_184, %mul3A_185 : i32
        %add3A_187 = arith.constant 0 : i32
        %add3A_188 = arith.addi %mul3A_186, %add3A_187 : i32
        %shift_right_arithmetic3A_189 = arith.constant 7 : i32
        %shift_right_arithmetic3A_190 = arith.shrsi %add3A_188, %shift_right_arithmetic3A_189 : i32
        %add3A_191 = vector.broadcast %shift_right_arithmetic3A_190 : i32 to vector<16xi32>
        %add3A_192 = arith.addi %mul3A_30, %add3A_191 : vector<16xi32>
        %and3A_193 = arith.constant 127 : i32
        %and3A_194 = arith.andi %add3A_188, %and3A_193 : i32
        %add3A_195 = vector.broadcast %and3A_194 : i32 to vector<16xi32>
        %add3A_196 = arith.addi %mul3A_30, %add3A_195 : vector<16xi32>
        %get3A_197 = arith.index_cast %add3A_188 : i32 to index
        %get3A_198 = arith.constant 0 : index
        %get3A_199 = tpu.vector_load %arg8[%get3A_197, %get3A_198] {strides = array<i32>} : memref<256x64xf32, #tpu.memory_space<vmem>>, vector<16xf32>,
        %add3A_200 = arith.addf %get3A_199, %get3A_146 : vector<16xf32>
        tpu.vector_store_idx %arg10[%add3A_7, %add3A_192, %and3A_27, %add3A_196], %add3A_200 : memref<8x2x8x129xf32, #tpu.memory_space<vmem>>[vector<16xi32>, vector<16xi32>, vector<16xi32>, vector<16xi32>], vector<16xf32>,
        %get3A_201 = arith.index_cast %add3A_188 : i32 to index
        %get3A_202 = arith.constant 16 : index
        %get3A_203 = tpu.vector_load %arg8[%get3A_201, %get3A_202] {strides = array<i32>} : memref<256x64xf32, #tpu.memory_space<vmem>>, vector<16xf32>,
        %add3A_204 = arith.addf %get3A_203, %get3A_149 : vector<16xf32>
        tpu.vector_store_idx %arg10[%add3A_13, %add3A_192, %and3A_27, %add3A_196], %add3A_204 : memref<8x2x8x129xf32, #tpu.memory_space<vmem>>[vector<16xi32>, vector<16xi32>, vector<16xi32>, vector<16xi32>], vector<16xf32>,
        %get3A_205 = arith.index_cast %add3A_188 : i32 to index
        %get3A_206 = arith.constant 32 : index
        %get3A_207 = tpu.vector_load %arg8[%get3A_205, %get3A_206] {strides = array<i32>} : memref<256x64xf32, #tpu.memory_space<vmem>>, vector<16xf32>,
        %add3A_208 = arith.addf %get3A_207, %get3A_152 : vector<16xf32>
        tpu.vector_store_idx %arg10[%add3A_19, %add3A_192, %and3A_27, %add3A_196], %add3A_208 : memref<8x2x8x129xf32, #tpu.memory_space<vmem>>[vector<16xi32>, vector<16xi32>, vector<16xi32>, vector<16xi32>], vector<16xf32>,
        %get3A_209 = arith.index_cast %add3A_188 : i32 to index
        %get3A_210 = arith.constant 48 : index
        %get3A_211 = tpu.vector_load %arg8[%get3A_209, %get3A_210] {strides = array<i32>} : memref<256x64xf32, #tpu.memory_space<vmem>>, vector<16xf32>,
        %add3A_212 = arith.addf %get3A_211, %get3A_155 : vector<16xf32>
        tpu.vector_store_idx %arg10[%add3A_25, %add3A_192, %and3A_27, %add3A_196], %add3A_212 : memref<8x2x8x129xf32, #tpu.memory_space<vmem>>[vector<16xi32>, vector<16xi32>, vector<16xi32>, vector<16xi32>], vector<16xf32>,
        %mul3A_213 = arith.constant 8 : i32
        %mul3A_214 = arith.muli %scan3A_184, %mul3A_213 : i32
        %add3A_215 = arith.constant 1 : i32
        %add3A_216 = arith.addi %mul3A_214, %add3A_215 : i32
        %shift_right_arithmetic3A_217 = arith.constant 7 : i32
        %shift_right_arithmetic3A_218 = arith.shrsi %add3A_216, %shift_right_arithmetic3A_217 : i32
        %add3A_219 = vector.broadcast %shift_right_arithmetic3A_218 : i32 to vector<16xi32>
        %add3A_220 = arith.addi %mul3A_30, %add3A_219 : vector<16xi32>
        %and3A_221 = arith.constant 127 : i32
        %and3A_222 = arith.andi %add3A_216, %and3A_221 : i32
        %add3A_223 = vector.broadcast %and3A_222 : i32 to vector<16xi32>
        %add3A_224 = arith.addi %mul3A_30, %add3A_223 : vector<16xi32>
        %get3A_225 = arith.index_cast %add3A_216 : i32 to index
        %get3A_226 = arith.constant 0 : index
        %get3A_227 = tpu.vector_load %arg8[%get3A_225, %get3A_226] {strides = array<i32>} : memref<256x64xf32, #tpu.memory_space<vmem>>, vector<16xf32>,
        %add3A_228 = arith.addf %get3A_227, %get3A_146 : vector<16xf32>
        tpu.vector_store_idx %arg10[%add3A_7, %add3A_220, %and3A_27, %add3A_224], %add3A_228 : memref<8x2x8x129xf32, #tpu.memory_space<vmem>>[vector<16xi32>, vector<16xi32>, vector<16xi32>, vector<16xi32>], vector<16xf32>,
        %get3A_229 = arith.index_cast %add3A_216 : i32 to index
        %get3A_230 = arith.constant 16 : index
        %get3A_231 = tpu.vector_load %arg8[%get3A_229, %get3A_230] {strides = array<i32>} : memref<256x64xf32, #tpu.memory_space<vmem>>, vector<16xf32>,
        %add3A_232 = arith.addf %get3A_231, %get3A_149 : vector<16xf32>
        tpu.vector_store_idx %arg10[%add3A_13, %add3A_220, %and3A_27, %add3A_224], %add3A_232 : memref<8x2x8x129xf32, #tpu.memory_space<vmem>>[vector<16xi32>, vector<16xi32>, vector<16xi32>, vector<16xi32>], vector<16xf32>,
        %get3A_233 = arith.index_cast %add3A_216 : i32 to index
        %get3A_234 = arith.constant 32 : index
        %get3A_235 = tpu.vector_load %arg8[%get3A_233, %get3A_234] {strides = array<i32>} : memref<256x64xf32, #tpu.memory_space<vmem>>, vector<16xf32>,
        %add3A_236 = arith.addf %get3A_235, %get3A_152 : vector<16xf32>
        tpu.vector_store_idx %arg10[%add3A_19, %add3A_220, %and3A_27, %add3A_224], %add3A_236 : memref<8x2x8x129xf32, #tpu.memory_space<vmem>>[vector<16xi32>, vector<16xi32>, vector<16xi32>, vector<16xi32>], vector<16xf32>,
        %get3A_237 = arith.index_cast %add3A_216 : i32 to index
        %get3A_238 = arith.constant 48 : index
        %get3A_239 = tpu.vector_load %arg8[%get3A_237, %get3A_238] {strides = array<i32>} : memref<256x64xf32, #tpu.memory_space<vmem>>, vector<16xf32>,
        %add3A_240 = arith.addf %get3A_239, %get3A_155 : vector<16xf32>
        tpu.vector_store_idx %arg10[%add3A_25, %add3A_220, %and3A_27, %add3A_224], %add3A_240 : memref<8x2x8x129xf32, #tpu.memory_space<vmem>>[vector<16xi32>, vector<16xi32>, vector<16xi32>, vector<16xi32>], vector<16xf32>,
        %mul3A_241 = arith.constant 8 : i32
        %mul3A_242 = arith.muli %scan3A_184, %mul3A_241 : i32
        %add3A_243 = arith.constant 2 : i32
        %add3A_244 = arith.addi %mul3A_242, %add3A_243 : i32
        %shift_right_arithmetic3A_245 = arith.constant 7 : i32
        %shift_right_arithmetic3A_246 = arith.shrsi %add3A_244, %shift_right_arithmetic3A_245 : i32
        %add3A_247 = vector.broadcast %shift_right_arithmetic3A_246 : i32 to vector<16xi32>
        %add3A_248 = arith.addi %mul3A_30, %add3A_247 : vector<16xi32>
        %and3A_249 = arith.constant 127 : i32
        %and3A_250 = arith.andi %add3A_244, %and3A_249 : i32
        %add3A_251 = vector.broadcast %and3A_250 : i32 to vector<16xi32>
        %add3A_252 = arith.addi %mul3A_30, %add3A_251 : vector<16xi32>
        %get3A_253 = arith.index_cast %add3A_244 : i32 to index
        %get3A_254 = arith.constant 0 : index
        %get3A_255 = tpu.vector_load %arg8[%get3A_253, %get3A_254] {strides = array<i32>} : memref<256x64xf32, #tpu.memory_space<vmem>>, vector<16xf32>,
        %add3A_256 = arith.addf %get3A_255, %get3A_146 : vector<16xf32>
        tpu.vector_store_idx %arg10[%add3A_7, %add3A_248, %and3A_27, %add3A_252], %add3A_256 : memref<8x2x8x129xf32, #tpu.memory_space<vmem>>[vector<16xi32>, vector<16xi32>, vector<16xi32>, vector<16xi32>], vector<16xf32>,
        %get3A_257 = arith.index_cast %add3A_244 : i32 to index
        %get3A_258 = arith.constant 16 : index
        %get3A_259 = tpu.vector_load %arg8[%get3A_257, %get3A_258] {strides = array<i32>} : memref<256x64xf32, #tpu.memory_space<vmem>>, vector<16xf32>,
        %add3A_260 = arith.addf %get3A_259, %get3A_149 : vector<16xf32>
        tpu.vector_store_idx %arg10[%add3A_13, %add3A_248, %and3A_27, %add3A_252], %add3A_260 : memref<8x2x8x129xf32, #tpu.memory_space<vmem>>[vector<16xi32>, vector<16xi32>, vector<16xi32>, vector<16xi32>], vector<16xf32>,
        %get3A_261 = arith.index_cast %add3A_244 : i32 to index
        %get3A_262 = arith.constant 32 : index
        %get3A_263 = tpu.vector_load %arg8[%get3A_261, %get3A_262] {strides = array<i32>} : memref<256x64xf32, #tpu.memory_space<vmem>>, vector<16xf32>,
        %add3A_264 = arith.addf %get3A_263, %get3A_152 : vector<16xf32>
        tpu.vector_store_idx %arg10[%add3A_19, %add3A_248, %and3A_27, %add3A_252], %add3A_264 : memref<8x2x8x129xf32, #tpu.memory_space<vmem>>[vector<16xi32>, vector<16xi32>, vector<16xi32>, vector<16xi32>], vector<16xf32>,
        %get3A_265 = arith.index_cast %add3A_244 : i32 to index
        %get3A_266 = arith.constant 48 : index
        %get3A_267 = tpu.vector_load %arg8[%get3A_265, %get3A_266] {strides = array<i32>} : memref<256x64xf32, #tpu.memory_space<vmem>>, vector<16xf32>,
        %add3A_268 = arith.addf %get3A_267, %get3A_155 : vector<16xf32>
        tpu.vector_store_idx %arg10[%add3A_25, %add3A_248, %and3A_27, %add3A_252], %add3A_268 : memref<8x2x8x129xf32, #tpu.memory_space<vmem>>[vector<16xi32>, vector<16xi32>, vector<16xi32>, vector<16xi32>], vector<16xf32>,
        %mul3A_269 = arith.constant 8 : i32
        %mul3A_270 = arith.muli %scan3A_184, %mul3A_269 : i32
        %add3A_271 = arith.constant 3 : i32
        %add3A_272 = arith.addi %mul3A_270, %add3A_271 : i32
        %shift_right_arithmetic3A_273 = arith.constant 7 : i32
        %shift_right_arithmetic3A_274 = arith.shrsi %add3A_272, %shift_right_arithmetic3A_273 : i32
        %add3A_275 = vector.broadcast %shift_right_arithmetic3A_274 : i32 to vector<16xi32>
        %add3A_276 = arith.addi %mul3A_30, %add3A_275 : vector<16xi32>
        %and3A_277 = arith.constant 127 : i32
        %and3A_278 = arith.andi %add3A_272, %and3A_277 : i32
        %add3A_279 = vector.broadcast %and3A_278 : i32 to vector<16xi32>
        %add3A_280 = arith.addi %mul3A_30, %add3A_279 : vector<16xi32>
        %get3A_281 = arith.index_cast %add3A_272 : i32 to index
        %get3A_282 = arith.constant 0 : index
        %get3A_283 = tpu.vector_load %arg8[%get3A_281, %get3A_282] {strides = array<i32>} : memref<256x64xf32, #tpu.memory_space<vmem>>, vector<16xf32>,
        %add3A_284 = arith.addf %get3A_283, %get3A_146 : vector<16xf32>
        tpu.vector_store_idx %arg10[%add3A_7, %add3A_276, %and3A_27, %add3A_280], %add3A_284 : memref<8x2x8x129xf32, #tpu.memory_space<vmem>>[vector<16xi32>, vector<16xi32>, vector<16xi32>, vector<16xi32>], vector<16xf32>,
        %get3A_285 = arith.index_cast %add3A_272 : i32 to index
        %get3A_286 = arith.constant 16 : index
        %get3A_287 = tpu.vector_load %arg8[%get3A_285, %get3A_286] {strides = array<i32>} : memref<256x64xf32, #tpu.memory_space<vmem>>, vector<16xf32>,
        %add3A_288 = arith.addf %get3A_287, %get3A_149 : vector<16xf32>
        tpu.vector_store_idx %arg10[%add3A_13, %add3A_276, %and3A_27, %add3A_280], %add3A_288 : memref<8x2x8x129xf32, #tpu.memory_space<vmem>>[vector<16xi32>, vector<16xi32>, vector<16xi32>, vector<16xi32>], vector<16xf32>,
        %get3A_289 = arith.index_cast %add3A_272 : i32 to index
        %get3A_290 = arith.constant 32 : index
        %get3A_291 = tpu.vector_load %arg8[%get3A_289, %get3A_290] {strides = array<i32>} : memref<256x64xf32, #tpu.memory_space<vmem>>, vector<16xf32>,
        %add3A_292 = arith.addf %get3A_291, %get3A_152 : vector<16xf32>
        tpu.vector_store_idx %arg10[%add3A_19, %add3A_276, %and3A_27, %add3A_280], %add3A_292 : memref<8x2x8x129xf32, #tpu.memory_space<vmem>>[vector<16xi32>, vector<16xi32>, vector<16xi32>, vector<16xi32>], vector<16xf32>,
        %get3A_293 = arith.index_cast %add3A_272 : i32 to index
        %get3A_294 = arith.constant 48 : index
        %get3A_295 = tpu.vector_load %arg8[%get3A_293, %get3A_294] {strides = array<i32>} : memref<256x64xf32, #tpu.memory_space<vmem>>, vector<16xf32>,
        %add3A_296 = arith.addf %get3A_295, %get3A_155 : vector<16xf32>
        tpu.vector_store_idx %arg10[%add3A_25, %add3A_276, %and3A_27, %add3A_280], %add3A_296 : memref<8x2x8x129xf32, #tpu.memory_space<vmem>>[vector<16xi32>, vector<16xi32>, vector<16xi32>, vector<16xi32>], vector<16xf32>,
        %mul3A_297 = arith.constant 8 : i32
        %mul3A_298 = arith.muli %scan3A_184, %mul3A_297 : i32
        %add3A_299 = arith.constant 4 : i32
        %add3A_300 = arith.addi %mul3A_298, %add3A_299 : i32
        %shift_right_arithmetic3A_301 = arith.constant 7 : i32
        %shift_right_arithmetic3A_302 = arith.shrsi %add3A_300, %shift_right_arithmetic3A_301 : i32
        %add3A_303 = vector.broadcast %shift_right_arithmetic3A_302 : i32 to vector<16xi32>
        %add3A_304 = arith.addi %mul3A_30, %add3A_303 : vector<16xi32>
        %and3A_305 = arith.constant 127 : i32
        %and3A_306 = arith.andi %add3A_300, %and3A_305 : i32
        %add3A_307 = vector.broadcast %and3A_306 : i32 to vector<16xi32>
        %add3A_308 = arith.addi %mul3A_30, %add3A_307 : vector<16xi32>
        %get3A_309 = arith.index_cast %add3A_300 : i32 to index
        %get3A_310 = arith.constant 0 : index
        %get3A_311 = tpu.vector_load %arg8[%get3A_309, %get3A_310] {strides = array<i32>} : memref<256x64xf32, #tpu.memory_space<vmem>>, vector<16xf32>,
        %add3A_312 = arith.addf %get3A_311, %get3A_146 : vector<16xf32>
        tpu.vector_store_idx %arg10[%add3A_7, %add3A_304, %and3A_27, %add3A_308], %add3A_312 : memref<8x2x8x129xf32, #tpu.memory_space<vmem>>[vector<16xi32>, vector<16xi32>, vector<16xi32>, vector<16xi32>], vector<16xf32>,
        %get3A_313 = arith.index_cast %add3A_300 : i32 to index
        %get3A_314 = arith.constant 16 : index
        %get3A_315 = tpu.vector_load %arg8[%get3A_313, %get3A_314] {strides = array<i32>} : memref<256x64xf32, #tpu.memory_space<vmem>>, vector<16xf32>,
        %add3A_316 = arith.addf %get3A_315, %get3A_149 : vector<16xf32>
        tpu.vector_store_idx %arg10[%add3A_13, %add3A_304, %and3A_27, %add3A_308], %add3A_316 : memref<8x2x8x129xf32, #tpu.memory_space<vmem>>[vector<16xi32>, vector<16xi32>, vector<16xi32>, vector<16xi32>], vector<16xf32>,
        %get3A_317 = arith.index_cast %add3A_300 : i32 to index
        %get3A_318 = arith.constant 32 : index
        %get3A_319 = tpu.vector_load %arg8[%get3A_317, %get3A_318] {strides = array<i32>} : memref<256x64xf32, #tpu.memory_space<vmem>>, vector<16xf32>,
        %add3A_320 = arith.addf %get3A_319, %get3A_152 : vector<16xf32>
        tpu.vector_store_idx %arg10[%add3A_19, %add3A_304, %and3A_27, %add3A_308], %add3A_320 : memref<8x2x8x129xf32, #tpu.memory_space<vmem>>[vector<16xi32>, vector<16xi32>, vector<16xi32>, vector<16xi32>], vector<16xf32>,
        %get3A_321 = arith.index_cast %add3A_300 : i32 to index
        %get3A_322 = arith.constant 48 : index
        %get3A_323 = tpu.vector_load %arg8[%get3A_321, %get3A_322] {strides = array<i32>} : memref<256x64xf32, #tpu.memory_space<vmem>>, vector<16xf32>,
        %add3A_324 = arith.addf %get3A_323, %get3A_155 : vector<16xf32>
        tpu.vector_store_idx %arg10[%add3A_25, %add3A_304, %and3A_27, %add3A_308], %add3A_324 : memref<8x2x8x129xf32, #tpu.memory_space<vmem>>[vector<16xi32>, vector<16xi32>, vector<16xi32>, vector<16xi32>], vector<16xf32>,
        %mul3A_325 = arith.constant 8 : i32
        %mul3A_326 = arith.muli %scan3A_184, %mul3A_325 : i32
        %add3A_327 = arith.constant 5 : i32
        %add3A_328 = arith.addi %mul3A_326, %add3A_327 : i32
        %shift_right_arithmetic3A_329 = arith.constant 7 : i32
        %shift_right_arithmetic3A_330 = arith.shrsi %add3A_328, %shift_right_arithmetic3A_329 : i32
        %add3A_331 = vector.broadcast %shift_right_arithmetic3A_330 : i32 to vector<16xi32>
        %add3A_332 = arith.addi %mul3A_30, %add3A_331 : vector<16xi32>
        %and3A_333 = arith.constant 127 : i32
        %and3A_334 = arith.andi %add3A_328, %and3A_333 : i32
        %add3A_335 = vector.broadcast %and3A_334 : i32 to vector<16xi32>
        %add3A_336 = arith.addi %mul3A_30, %add3A_335 : vector<16xi32>
        %get3A_337 = arith.index_cast %add3A_328 : i32 to index
        %get3A_338 = arith.constant 0 : index
        %get3A_339 = tpu.vector_load %arg8[%get3A_337, %get3A_338] {strides = array<i32>} : memref<256x64xf32, #tpu.memory_space<vmem>>, vector<16xf32>,
        %add3A_340 = arith.addf %get3A_339, %get3A_146 : vector<16xf32>
        tpu.vector_store_idx %arg10[%add3A_7, %add3A_332, %and3A_27, %add3A_336], %add3A_340 : memref<8x2x8x129xf32, #tpu.memory_space<vmem>>[vector<16xi32>, vector<16xi32>, vector<16xi32>, vector<16xi32>], vector<16xf32>,
        %get3A_341 = arith.index_cast %add3A_328 : i32 to index
        %get3A_342 = arith.constant 16 : index
        %get3A_343 = tpu.vector_load %arg8[%get3A_341, %get3A_342] {strides = array<i32>} : memref<256x64xf32, #tpu.memory_space<vmem>>, vector<16xf32>,
        %add3A_344 = arith.addf %get3A_343, %get3A_149 : vector<16xf32>
        tpu.vector_store_idx %arg10[%add3A_13, %add3A_332, %and3A_27, %add3A_336], %add3A_344 : memref<8x2x8x129xf32, #tpu.memory_space<vmem>>[vector<16xi32>, vector<16xi32>, vector<16xi32>, vector<16xi32>], vector<16xf32>,
        %get3A_345 = arith.index_cast %add3A_328 : i32 to index
        %get3A_346 = arith.constant 32 : index
        %get3A_347 = tpu.vector_load %arg8[%get3A_345, %get3A_346] {strides = array<i32>} : memref<256x64xf32, #tpu.memory_space<vmem>>, vector<16xf32>,
        %add3A_348 = arith.addf %get3A_347, %get3A_152 : vector<16xf32>
        tpu.vector_store_idx %arg10[%add3A_19, %add3A_332, %and3A_27, %add3A_336], %add3A_348 : memref<8x2x8x129xf32, #tpu.memory_space<vmem>>[vector<16xi32>, vector<16xi32>, vector<16xi32>, vector<16xi32>], vector<16xf32>,
        %get3A_349 = arith.index_cast %add3A_328 : i32 to index
        %get3A_350 = arith.constant 48 : index
        %get3A_351 = tpu.vector_load %arg8[%get3A_349, %get3A_350] {strides = array<i32>} : memref<256x64xf32, #tpu.memory_space<vmem>>, vector<16xf32>,
        %add3A_352 = arith.addf %get3A_351, %get3A_155 : vector<16xf32>
        tpu.vector_store_idx %arg10[%add3A_25, %add3A_332, %and3A_27, %add3A_336], %add3A_352 : memref<8x2x8x129xf32, #tpu.memory_space<vmem>>[vector<16xi32>, vector<16xi32>, vector<16xi32>, vector<16xi32>], vector<16xf32>,
        %mul3A_353 = arith.constant 8 : i32
        %mul3A_354 = arith.muli %scan3A_184, %mul3A_353 : i32
        %add3A_355 = arith.constant 6 : i32
        %add3A_356 = arith.addi %mul3A_354, %add3A_355 : i32
        %shift_right_arithmetic3A_357 = arith.constant 7 : i32
        %shift_right_arithmetic3A_358 = arith.shrsi %add3A_356, %shift_right_arithmetic3A_357 : i32
        %add3A_359 = vector.broadcast %shift_right_arithmetic3A_358 : i32 to vector<16xi32>
        %add3A_360 = arith.addi %mul3A_30, %add3A_359 : vector<16xi32>
        %and3A_361 = arith.constant 127 : i32
        %and3A_362 = arith.andi %add3A_356, %and3A_361 : i32
        %add3A_363 = vector.broadcast %and3A_362 : i32 to vector<16xi32>
        %add3A_364 = arith.addi %mul3A_30, %add3A_363 : vector<16xi32>
        %get3A_365 = arith.index_cast %add3A_356 : i32 to index
        %get3A_366 = arith.constant 0 : index
        %get3A_367 = tpu.vector_load %arg8[%get3A_365, %get3A_366] {strides = array<i32>} : memref<256x64xf32, #tpu.memory_space<vmem>>, vector<16xf32>,
        %add3A_368 = arith.addf %get3A_367, %get3A_146 : vector<16xf32>
        tpu.vector_store_idx %arg10[%add3A_7, %add3A_360, %and3A_27, %add3A_364], %add3A_368 : memref<8x2x8x129xf32, #tpu.memory_space<vmem>>[vector<16xi32>, vector<16xi32>, vector<16xi32>, vector<16xi32>], vector<16xf32>,
        %get3A_369 = arith.index_cast %add3A_356 : i32 to index
        %get3A_370 = arith.constant 16 : index
        %get3A_371 = tpu.vector_load %arg8[%get3A_369, %get3A_370] {strides = array<i32>} : memref<256x64xf32, #tpu.memory_space<vmem>>, vector<16xf32>,
        %add3A_372 = arith.addf %get3A_371, %get3A_149 : vector<16xf32>
        tpu.vector_store_idx %arg10[%add3A_13, %add3A_360, %and3A_27, %add3A_364], %add3A_372 : memref<8x2x8x129xf32, #tpu.memory_space<vmem>>[vector<16xi32>, vector<16xi32>, vector<16xi32>, vector<16xi32>], vector<16xf32>,
        %get3A_373 = arith.index_cast %add3A_356 : i32 to index
        %get3A_374 = arith.constant 32 : index
        %get3A_375 = tpu.vector_load %arg8[%get3A_373, %get3A_374] {strides = array<i32>} : memref<256x64xf32, #tpu.memory_space<vmem>>, vector<16xf32>,
        %add3A_376 = arith.addf %get3A_375, %get3A_152 : vector<16xf32>
        tpu.vector_store_idx %arg10[%add3A_19, %add3A_360, %and3A_27, %add3A_364], %add3A_376 : memref<8x2x8x129xf32, #tpu.memory_space<vmem>>[vector<16xi32>, vector<16xi32>, vector<16xi32>, vector<16xi32>], vector<16xf32>,
        %get3A_377 = arith.index_cast %add3A_356 : i32 to index
        %get3A_378 = arith.constant 48 : index
        %get3A_379 = tpu.vector_load %arg8[%get3A_377, %get3A_378] {strides = array<i32>} : memref<256x64xf32, #tpu.memory_space<vmem>>, vector<16xf32>,
        %add3A_380 = arith.addf %get3A_379, %get3A_155 : vector<16xf32>
        tpu.vector_store_idx %arg10[%add3A_25, %add3A_360, %and3A_27, %add3A_364], %add3A_380 : memref<8x2x8x129xf32, #tpu.memory_space<vmem>>[vector<16xi32>, vector<16xi32>, vector<16xi32>, vector<16xi32>], vector<16xf32>,
        %mul3A_381 = arith.constant 8 : i32
        %mul3A_382 = arith.muli %scan3A_184, %mul3A_381 : i32
        %add3A_383 = arith.constant 7 : i32
        %add3A_384 = arith.addi %mul3A_382, %add3A_383 : i32
        %shift_right_arithmetic3A_385 = arith.constant 7 : i32
        %shift_right_arithmetic3A_386 = arith.shrsi %add3A_384, %shift_right_arithmetic3A_385 : i32
        %add3A_387 = vector.broadcast %shift_right_arithmetic3A_386 : i32 to vector<16xi32>
        %add3A_388 = arith.addi %mul3A_30, %add3A_387 : vector<16xi32>
        %and3A_389 = arith.constant 127 : i32
        %and3A_390 = arith.andi %add3A_384, %and3A_389 : i32
        %add3A_391 = vector.broadcast %and3A_390 : i32 to vector<16xi32>
        %add3A_392 = arith.addi %mul3A_30, %add3A_391 : vector<16xi32>
        %get3A_393 = arith.index_cast %add3A_384 : i32 to index
        %get3A_394 = arith.constant 0 : index
        %get3A_395 = tpu.vector_load %arg8[%get3A_393, %get3A_394] {strides = array<i32>} : memref<256x64xf32, #tpu.memory_space<vmem>>, vector<16xf32>,
        %add3A_396 = arith.addf %get3A_395, %get3A_146 : vector<16xf32>
        tpu.vector_store_idx %arg10[%add3A_7, %add3A_388, %and3A_27, %add3A_392], %add3A_396 : memref<8x2x8x129xf32, #tpu.memory_space<vmem>>[vector<16xi32>, vector<16xi32>, vector<16xi32>, vector<16xi32>], vector<16xf32>,
        %get3A_397 = arith.index_cast %add3A_384 : i32 to index
        %get3A_398 = arith.constant 16 : index
        %get3A_399 = tpu.vector_load %arg8[%get3A_397, %get3A_398] {strides = array<i32>} : memref<256x64xf32, #tpu.memory_space<vmem>>, vector<16xf32>,
        %add3A_400 = arith.addf %get3A_399, %get3A_149 : vector<16xf32>
        tpu.vector_store_idx %arg10[%add3A_13, %add3A_388, %and3A_27, %add3A_392], %add3A_400 : memref<8x2x8x129xf32, #tpu.memory_space<vmem>>[vector<16xi32>, vector<16xi32>, vector<16xi32>, vector<16xi32>], vector<16xf32>,
        %get3A_401 = arith.index_cast %add3A_384 : i32 to index
        %get3A_402 = arith.constant 32 : index
        %get3A_403 = tpu.vector_load %arg8[%get3A_401, %get3A_402] {strides = array<i32>} : memref<256x64xf32, #tpu.memory_space<vmem>>, vector<16xf32>,
        %add3A_404 = arith.addf %get3A_403, %get3A_152 : vector<16xf32>
        tpu.vector_store_idx %arg10[%add3A_19, %add3A_388, %and3A_27, %add3A_392], %add3A_404 : memref<8x2x8x129xf32, #tpu.memory_space<vmem>>[vector<16xi32>, vector<16xi32>, vector<16xi32>, vector<16xi32>], vector<16xf32>,
        %get3A_405 = arith.index_cast %add3A_384 : i32 to index
        %get3A_406 = arith.constant 48 : index
        %get3A_407 = tpu.vector_load %arg8[%get3A_405, %get3A_406] {strides = array<i32>} : memref<256x64xf32, #tpu.memory_space<vmem>>, vector<16xf32>,
        %add3A_408 = arith.addf %get3A_407, %get3A_155 : vector<16xf32>
        tpu.vector_store_idx %arg10[%add3A_25, %add3A_388, %and3A_27, %add3A_392], %add3A_408 : memref<8x2x8x129xf32, #tpu.memory_space<vmem>>[vector<16xi32>, vector<16xi32>, vector<16xi32>, vector<16xi32>], vector<16xf32>,
      }
      %scan3A_161 = arith.constant 32 : i32
      %add3A_162 = arith.constant 2 : i32
      %add3A_163 = arith.addi %mul3A_2, %add3A_162 : i32
      %dma_start3A_164 = arith.constant 0 : i32
      %dma_start3A_165 = arith.constant 0 : i32
      %dma_start3A_166 = arith.constant 0 : i32
      %dma_start3A_167 = arith.constant 0 : i32
      %dma_start3A_168 = tpu.memref_slice %arg10[%dma_start3A_164, %dma_start3A_165, %dma_start3A_166, %dma_start3A_167] : memref<8x2x8x129xf32, #tpu.memory_space<vmem>> -> memref<8x2x8x128xf32, #tpu.memory_space<vmem>>
      %dma_start3A_169 = arith.constant 0 : i32
      %dma_start3A_170 = arith.constant 0 : i32
      %dma_start3A_171 = arith.constant 0 : i32
      %dma_start3A_172 = tpu.memref_slice %arg5[%scan3A_64, %dma_start3A_169, %add3A_163, %dma_start3A_170, %dma_start3A_171] : memref<40x8x128x8x128xf32, #tpu.memory_space<hbm>> -> memref<1x8x2x8x128xf32, #tpu.memory_space<hbm>>
      %dma_start3A_173 = tpu.memref_squeeze %dma_start3A_172 : memref<1x8x2x8x128xf32, #tpu.memory_space<hbm>> -> memref<8x2x8x128xf32, #tpu.memory_space<hbm>>
      %dma_start3A_174 = arith.constant 0 : i32
      %dma_start3A_175 = arith.constant 0 : i32
      %dma_start3A_176 = arith.constant 0 : i32
      %dma_start3A_177 = tpu.memref_slice %arg5[%scan3A_64, %dma_start3A_174, %add3A_163, %dma_start3A_175, %dma_start3A_176] : memref<40x8x128x8x128xf32, #tpu.memory_space<hbm>> -> memref<1x8x2x8x128xf32, #tpu.memory_space<hbm>>
      %dma_start3A_178 = tpu.memref_squeeze %dma_start3A_177 : memref<1x8x2x8x128xf32, #tpu.memory_space<hbm>> -> memref<8x2x8x128xf32, #tpu.memory_space<hbm>>
      %dma_start3A_179 = arith.constant 0 : i32
      %dma_start3A_180 = arith.constant 0 : i32
      %dma_start3A_181 = arith.constant 0 : i32
      %dma_start3A_182 = arith.constant 0 : i32
      %dma_start3A_183 = tpu.memref_slice %arg10[%dma_start3A_179, %dma_start3A_180, %dma_start3A_181, %dma_start3A_182] : memref<8x2x8x129xf32, #tpu.memory_space<vmem>> -> memref<8x2x8x128xf32, #tpu.memory_space<vmem>>
      tpu.enqueue_dma source(%dma_start3A_183 : memref<8x2x8x128xf32, #tpu.memory_space<vmem>>) target(%dma_start3A_178 : memref<8x2x8x128xf32, #tpu.memory_space<hbm>>) target_semaphore(%arg14 : memref<!tpu.dma_semaphore, #tpu.memory_space<semaphore_mem>>)
    }
    %scan3A_58 = arith.constant 40 : i32
    %dma_wait3A = arith.constant 0 : i32
    %dma_wait3A_59 = arith.constant 0 : i32
    %dma_wait3A_60 = tpu.memref_slice %arg2[%dma_wait3A, %dma_wait3A_59] : memref<1000000x64xf32, #tpu.memory_space<hbm>> -> memref<256x64xf32, #tpu.memory_space<hbm>>
    %dma_wait3A_61 = arith.constant 0 : i32
    %dma_wait3A_62 = arith.constant 0 : i32
    %dma_wait3A_63 = tpu.memref_slice %arg2[%dma_wait3A_61, %dma_wait3A_62] : memref<1000000x64xf32, #tpu.memory_space<hbm>> -> memref<256x64xf32, #tpu.memory_space<hbm>>
    tpu.wait_dma2 semaphore(%arg14 : memref<!tpu.dma_semaphore, #tpu.memory_space<semaphore_mem>>) src(%arg7 : memref<256x64xf32, #tpu.memory_space<vmem>>) dst(%dma_wait3A_63 : memref<256x64xf32, #tpu.memory_space<hbm>>)
    return
  }
}

</mosaic_0001>

<sc_bundles>
// kernel: kernel.3.cloned.1.call-start
scs
__scs_entry_jumppad:
0x0: {  	(pc) =	sbr.rel $0x88, $3  }
0x1: {  	(tag) =	ssettag $0x0;
	lr =	simm.s32 $0x1  }
0x2: {  	[smem:$0x3F9E] =	sst lr;
	_ =	strace $0xD0000000  }
0x3: {  	_ = 	snop  }
0x4: {  	_ = 	snop  }
0x5: {  	_ = 	snop  }
0x6: {  	_ = 	snop  }
0x7: {  	_ = 	snop  }
__scs_overlays_trampoline_lowered:
0x8: {  	[smem:$0x3FAD] =	sst s0  }
0x9: {  	[smem:$0x3FAE] =	sst s1  }
0xa: {  	[smem:$0x3FAF] =	sst s2  }
0xb: {  	[smem:$0x3FB0] =	sst s3  }
0xc: {  	[smem:$0x3FB1] =	sst s4  }
0xd: {  	[smem:$0x3FB2] =	sst s5  }
0xe: {  	[smem:$0x3FB3] =	sst s6  }
0xf: {  	[smem:$0x3FB4] =	sst s7  }
0x10: {  	[smem:$0x3FB5] =	sst s8  }
0x11: {  	[smem:$0x3FB6] =	sst s9;
	s0 =	simm.s32 @!p0 $0x0  }
0x12: {  	s1 =	sld [smem:$0x3F9C];
	s0 =	simm.s32 @p0 $0x1  }
0x13: {  	[smem:$0x3FB7] =	sst s0;
	s0 =	simm.s32 @!p1 $0x0  }
0x14: {  	s2 =	sld [smem:$0x3F9B];
	s0 =	simm.s32 @p1 $0x1  }
0x15: {  	[smem:$0x3FB8] =	sst s0;
	s0 =	simm.s32 @!p2 $0x0  }
0x16: {  	s3 =	sld [smem:$0x3FDB];
	s0 =	simm.s32 @p2 $0x1  }
0x17: {  	s4 =	simm.s32 $0x1BF5;
	[smem:$0x3FBA] =	sst s0  }
0x18: {  	s0 =	sld [smem:$0x3F9D];
	_ =	swait.ge [sflag:s4], $0x0  }
0x19: {  	s7 =	sld [smem:$0x3F9E]  }
0x1a: {  	s8 =	sadd.s32 $0xFFFFE003, lr  }
0x1b: {  	s9 =	sadd.s32 $0xFFFFFEF7, lr;
	s5 =	simm.s32 $0xFFFFFFFF;
	p2 =	slt.u32 s8, $0xFFFFF086  }
0x1c: {  	p1 =	slt.u32 s9, $0xF7A;
	s5 =	simm.s32 @!p2 $0x0  }
0x1d: {  	s5 =	simm.s32 @p1 $0x1;
	p0 =	seq.s32 s7, s2  }
0x1e: {  	s7 =	smul.u32 @!p0 $0xF7A, s2;
	p2 =	seq.s32 @!p0 s5, $0x0  }
0x1f: {  	s9 =	smul.u32 $0xF7A, s1;
	s8 =	simm.s32 @!p0 $0x1BF5;
	p2 =	por !p2, p0  }
0x20: {  	[sflag:s8] =	ssyncset.s32 @!p0 $0xFFFFF086;
	s6 =	sadd.s32 @!p0 s3, s7;
	s7 =	simm.s32 @!p0 $0x108  }
0x21: {  	s3 =	sadd.s32 s3, s9;
	s6 =	sadd.s32 @!p0 $0x88, s6;
	s7 =	simm.s32 @p2 $0x1082  }
0x22: {  	[simem:s7], [sflag:s8] =	dma.local @!p0 [hbm:s6], $0xF7A  }
0x23: {  	s9 =	sor.u32 $0xD0000000, s2;
	s6 =	simm.s32 $0x108;
	_ =	swait.ge @!p0 [sflag:s8], $0x0  }
0x24: {  	s3 =	sadd.s32 $0x88, s3;
	s6 =	simm.s32 @!p1 $0x1082;
	[sflag:s4] =	ssyncset.s32 $0xFFFFF086  }
0x25: {  	[simem:s6], [sflag:s4] =	dma.local [hbm:s3], $0xF7A  }
0x26: {  	[smem:$0x3F9E] =	sst s1;
	(tag) =	ssettag s2;
	_ =	strace s9  }
0x27: {  	s1 =	sld [smem:$0x3FAE]  }
0x28: {  	s2 =	sld [smem:$0x3FAF]  }
0x29: {  	s4 =	sld [smem:$0x3FB1]  }
0x2a: {  	p0 =	seq.s32 s5, $0x0;
	s5 =	sld [smem:$0x3FB2]  }
0x2b: {  	s6 =	sld [smem:$0x3FB3]  }
0x2c: {  	s7 =	sld [smem:$0x3FB4]  }
0x2d: {  	s3 =	simm.s32 $0x108;
	s8 =	sld [smem:$0x3FB5]  }
0x2e: {  	s3 =	simm.s32 @!p0 $0x1082;
	s9 =	sld [smem:$0x3FB6]  }
0x2f: {  	lr =	sadd.s32 s0, s3;
	s0 =	sld [smem:$0x3FAD]  }
0x30: {  	s3 =	sld [smem:$0x3FB0]  }
0x31: {  	[smem:$0x3FB9] =	sst s10  }
0x32: {  	s10 =	sld [smem:$0x3FB7];
	_ =	sdelay $0x3  }
0x33: {  	p0 =	seq.s32 s10, $0x1;
	s10 =	sld [smem:$0x3FB9];
	_ =	sdelay $0x3  }
0x34: {  	[smem:$0x3FB9] =	sst s10  }
0x35: {  	s10 =	sld [smem:$0x3FB8];
	_ =	sdelay $0x3  }
0x36: {  	p1 =	seq.s32 s10, $0x1;
	s10 =	sld [smem:$0x3FB9];
	_ =	sdelay $0x3  }
0x37: {  	[smem:$0x3FB9] =	sst s10  }
0x38: {  	s10 =	sld [smem:$0x3FBA]  }
0x39: {  	_ = 	snop;
	(pc) =	sbr.ind lr, $3  }
0x3a: {  	_ = 	snop  }
0x3b: {  	_ = 	snop  }
0x3c: {  	p2 =	seq.s32 s10, $0x1;
	s10 =	sld [smem:$0x3FB9]  }
0x3d: {  	_ =	shalt  }
0x3e: {  	_ =	shalt  }
0x3f: {  	_ =	shalt  }
0x40: {  	_ =	shalt  }
0x41: {  	_ =	shalt  }
0x42: {  	_ =	shalt  }
0x43: {  	_ =	shalt  }
0x44: {  	_ =	shalt  }
0x45: {  	_ =	shalt  }
0x46: {  	_ =	shalt  }
0x47: {  	_ =	shalt  }
0x48: {  	_ =	shalt  }
0x49: {  	_ =	shalt  }
0x4a: {  	_ =	shalt  }
0x4b: {  	_ =	shalt  }
0x4c: {  	_ =	shalt  }
0x4d: {  	_ =	shalt  }
0x4e: {  	_ =	shalt  }
0x4f: {  	_ =	shalt  }
0x50: {  	_ =	shalt  }
0x51: {  	_ =	shalt  }
0x52: {  	_ =	shalt  }
0x53: {  	_ =	shalt  }
0x54: {  	_ =	shalt  }
0x55: {  	_ =	shalt  }
0x56: {  	_ =	shalt  }
0x57: {  	_ =	shalt  }
0x58: {  	_ =	shalt  }
0x59: {  	_ =	shalt  }
0x5a: {  	_ =	shalt  }
0x5b: {  	_ =	shalt  }
0x5c: {  	_ =	shalt  }
0x5d: {  	_ =	shalt  }
0x5e: {  	_ =	shalt  }
0x5f: {  	_ =	shalt  }
0x60: {  	_ =	shalt  }
0x61: {  	_ =	shalt  }
0x62: {  	_ =	shalt  }
0x63: {  	_ =	shalt  }
0x64: {  	_ =	shalt  }
0x65: {  	_ =	shalt  }
0x66: {  	_ =	shalt  }
0x67: {  	_ =	shalt  }
0x68: {  	_ =	shalt  }
0x69: {  	_ =	shalt  }
0x6a: {  	_ =	shalt  }
0x6b: {  	_ =	shalt  }
0x6c: {  	_ =	shalt  }
0x6d: {  	_ =	shalt  }
0x6e: {  	_ =	shalt  }
0x6f: {  	_ =	shalt  }
0x70: {  	_ =	shalt  }
0x71: {  	_ =	shalt  }
0x72: {  	_ =	shalt  }
0x73: {  	_ =	shalt  }
0x74: {  	_ =	shalt  }
0x75: {  	_ =	shalt  }
0x76: {  	_ =	shalt  }
0x77: {  	_ =	shalt  }
0x78: {  	_ =	shalt  }
0x79: {  	_ =	shalt  }
0x7a: {  	_ =	shalt  }
0x7b: {  	_ =	shalt  }
0x7c: {  	_ =	shalt  }
0x7d: {  	_ =	shalt  }
0x7e: {  	_ =	shalt  }
0x7f: {  	_ =	shalt  }
0x80: {  	_ =	shalt  }
0x81: {  	_ =	shalt  }
0x82: {  	_ =	shalt  }
0x83: {  	_ =	shalt  }
0x84: {  	_ =	shalt  }
0x85: {  	_ =	shalt  }
0x86: {  	_ =	shalt  }
0x87: {  	_ =	shalt  }
.Lfunc_end0:
.L_simem_size_0:
called_computation_lowered:
.L_overlay_start_0:
0x88: {  	s2 =	sld [smem:$0x3FD9]  }
0x89: {  	s3 =	sld [smem:$0x3FFE];
	_ =	sdelay $0x1  }
0x8a: {  	s1 =	srdreg.scid  }
0x8b: {  	s0 =	sand.u32 $0x1, s1  }
0x8c: {  	s17 =	sshll.u32 s0, $0xA;
	s2 =	sadd.s32 s3, s2  }
0x8d: {  	s2 =	sadd.s32 s2, s17  }
0x8e: {  	[smem:$0x3FC5] =	sst s2  }
0x8f: {  	_ = 	snop  }
0x90: {  	s2 =	sld [smem:$0x3FC9]  }
0x91: {  	s18 =	sld [smem:$0x3FD0];
	(tm) =	ssettm $0x1  }
0x92: {  	s4 =	sld [smem:$0x3FFB];
	_ =	sdelay $0x3  }
0x93: {  	_ =	strace s4  }
0x94: {  	s4 =	sld [smem:$0x3FFC];
	_ =	sdelay $0x3  }
0x95: {  	_ =	strace s4  }
0x96: {  	s4 =	sld [smem:$0x3FFD];
	_ =	sdelay $0x3  }
0x97: {  	_ =	strace s4  }
0x98: {  	_ =	strace $0x8FFFFFFF  }
0x99: {  	s19 =	sld [smem:$0x3FDB];
	_ =	sdelay $0x1  }
0x9a: {  	s5 =	simm.s32 $_scs_section_size  }
0x9b: {  	s6 =	simm.s32 $_size__tile_overlayer_lowered;
	s7 =	simm.s32 $_tile_overlayer_lowered  }
0x9c: {  	s22 =	simm.s32 $0x1BFF;
	s21 =	sshll.u32 s7, $0x1;
	s4 =	sadd.s32 s5, s19  }
0x9d: {  	s8 =	simm.s32 $0x0;
	s20 =	sshll.u32 s6, $0x1;
	s6 =	sadd.s32 s21, s4  }
0x9e: {  	[timem:s8], [sflag:s22] =	dma.local [hbm:s6], s20  }
0x9f: {  	_ =	swait.ge [sflag:s22], s20  }
0xa0: {  	s5 =	ssub.s32 $0x0, s20;
	[sflag:s22] =	ssyncset.done $0x0  }
0xa1: {  	[sflag:s22] =	ssyncadd.s32 s5;
	_ =	sdelay $0x1  }
0xa2: {  	s23 =	simm.s32 $0x1B8B  }
0xa3: {  	_ =	swait.ge [sflag:s23], $0x1  }
0xa4: {  	[sflag:s23] =	ssyncset.done $0x0  }
0xa5: {  	s25 =	simm.s32 $0x1B8E;
	s24 =	sld [smem:$0x3FFE];
	[sflag:s23] =	ssyncadd.s32 $0xFFFFFFFF  }
0xa6: {  	s26 =	simm.s32 $execute0_lowered;
	[smem:$0x3FD2] =	sst s25  }
0xa7: {  	s6 =	sshll.u32 s26, $0x1;
	_ =	strace $0x80000046;
	[dreg:$0x1] =	wrdreg $0xFFFFFFFF  }
0xa8: {  	s28 =	simm.s32 $_size_execute0_lowered;
	s4 =	sadd.s32 s4, s6;
	[dreg:$0x0] =	wrdreg $0x0  }
0xa9: {  	s6 =	sshll.u32 s28, $0x1;
	[dreg:$0x2] =	wrdreg s4  }
0xaa: {  	[dreg:$0x3] =	wrdreg s6  }
0xab: {  	[dreg:$0x4] =	wrdreg $0xC0  }
0xac: {  	_ =	task [dreg:s8], $0x5FFFF  }
0xad: {  	[dreg:$0x1] =	wrdreg $0xFFFFFFFF  }
0xae: {  	[dreg:$0x0] =	wrdreg $0x60  }
0xaf: {  	[dreg:$0x2] =	wrdreg s24  }
0xb0: {  	[dreg:$0x3] =	wrdreg s2  }
0xb1: {  	[dreg:$0x4] =	wrdreg s18  }
0xb2: {  	[dreg:$0x5] =	wrdreg $0x9  }
0xb3: {  	_ =	task.clear_ibuf [dreg:s8], $0x6FFFF;
	_ =	strace $0x90000046  }
0xb4: {  	s29 =	simm.s32 $0x9;
	_ =	strace $0x80000048  }
0xb5: {  	_ =	swait.ge [sflag:s29], $0x1  }
0xb6: {  	[sflag:s29] =	ssyncadd.s32 $0xFFFFFFFF  }
0xb7: {  	_ =	strace $0x90000048  }
0xb8: {  	_ =	sfence  }
0xb9: {  	s30 =	sld [smem:$0x0];
	_ =	sdelay $0x2  }
0xba: {  	s31 =	sshll.u32 s1, $0xD;
	s1 =	sshrl.u32 s1, $0x2  }
0xbb: {  	s3 =	sand.u32 $0x4000, s31;
	s1 =	sadd.s32 s1, s30  }
0xbc: {  	s0 =	sor.u32 s3, s0;
	s1 =	sshll.u32 s1, $0x11  }
0xbd: {  	s0 =	sor.u32 s1, s0  }
0xbe: {  	s0 =	sadd.s32 $0x8F2B, s0  }
0xbf: {  	[sflag:s0] =	ssyncadd.remote.s32 $0x1  }
0xc0: {  	_ =	sfence.sel $0xFFFF  }
0xc1: {  	[dreg:$0x0] =	wrdreg $0xFFFFFFFF;
	(pc) =	sbr.abs _section_cstart, $3  }
0xc2: {  	[dreg:$0x1] =	wrdreg $0xFFFFFFFF  }
0xc3: {  	_ =	task.clear_ibuf [dreg:s8], $0x2FFFF;
	_ =	strace $0x9FFFFFFF  }
0xc4: {  	(tm) =	ssettm $0x7FFFFFFF  }
0xc5: {  	_ =	shalt  }
tec
execute0_lowered:
.L_overlay_start_1:
0x0: {  	(tag) =	ssettag $0x1  }
0x1: {  	v0 =	vimm.s32 $0xC38;
	vm14 =	vcmask $0x300;
	vm13 =	vcmask $0x704  }
0x2: {  	vm12 =	vcmask $0xB08;
	vm11 =	vcmask $0xF0C;
	vm10 =	vcmask $0x1310  }
0x3: {  	vm9 =	vcmask $0x1714;
	vm8 =	vcmask $0x1B18;
	vm7 =	vcmask $0x1F1C  }
0x4: {  	vm6 =	vcmask $0x2320;
	vm5 =	vcmask $0x2724;
	vm4 =	vcmask $0x2B28  }
0x5: {  	vm3 =	vcmask $0x2F2C;
	vm2 =	vcmask $0x3330;
	vm1 =	vcmask $0x3734  }
0x6: {  	vm0 =	vcmask $0x3B38;
	v1 =	vimm.s32 $0x0;
	v2 =	vimm.s32 $0x1D38  }
0x7: {  	v3 =	vimm.s32 $0x2E38;
	v4 =	vimm.s32 $0x3F38;
	v0 =	vsel vm14, $0x0, v0  }
0x8: {  	v1 =	vsel vm14, $0x3, v1;
	v2 =	vsel vm14, $0x1100, v2;
	v3 =	vsel vm14, $0x2200, v3  }
0x9: {  	v4 =	vsel vm14, $0x3300, v4;
	v0 =	vsel vm13, $0x88, v0;
	v2 =	vsel vm13, $0x1188, v2  }
0xa: {  	v3 =	vsel vm13, $0x2288, v3;
	v4 =	vsel vm13, $0x3388, v4;
	v0 =	vsel vm12, $0x110, v0  }
0xb: {  	v2 =	vsel vm12, $0x1210, v2;
	v3 =	vsel vm12, $0x2310, v3;
	v4 =	vsel vm12, $0x3410, v4  }
0xc: {  	v0 =	vsel vm11, $0x198, v0;
	v2 =	vsel vm11, $0x1298, v2;
	v3 =	vsel vm11, $0x2398, v3  }
0xd: {  	v4 =	vsel vm11, $0x3498, v4;
	v0 =	vsel vm10, $0x220, v0;
	v2 =	vsel vm10, $0x1320, v2  }
0xe: {  	v3 =	vsel vm10, $0x2420, v3;
	v4 =	vsel vm10, $0x3520, v4;
	v0 =	vsel vm9, $0x2A8, v0  }
0xf: {  	s0 =	rddreg [dreg:$0x0];
	v2 =	vsel vm9, $0x13A8, v2;
	v3 =	vsel vm9, $0x24A8, v3;
	v4 =	vsel vm9, $0x35A8, v4  }
0x10: {  	s3 =	rddreg [dreg:$0x1];
	v0 =	vsel vm8, $0x330, v0;
	v2 =	vsel vm8, $0x1430, v2;
	v3 =	vsel vm8, $0x2530, v3  }
0x11: {  	s1 =	rddreg [dreg:$0x2];
	s2 =	simm.s32 $0x0;
	s5 =	srdreg.scid;
	v4 =	vsel vm8, $0x3630, v4;
	v0 =	vsel vm7, $0x3B8, v0;
	v2 =	vsel vm7, $0x14B8, v2  }
0x12: {  	s7 =	stileid.u32;
	s10 =	simm.s32 $0x4;
	s12 =	simm.s32 $0x20000;
	v3 =	vsel vm7, $0x25B8, v3;
	v4 =	vsel vm7, $0x36B8, v4;
	v0 =	vsel vm6, $0x880, v0  }
0x13: {  	s13 =	simm.s32 $0x80;
	s14 =	simm.s32 $0x5000;
	s15 =	simm.s32 $0x400;
	v2 =	vsel vm6, $0x1980, v2;
	v3 =	vsel vm6, $0x2A80, v3;
	v4 =	vsel vm6, $0x3B80, v4  }
0x14: {  	s16 =	simm.s32 $0x7000;
	s17 =	simm.s32 $0x9000;
	s18 =	simm.s32 $0xB000;
	v0 =	vsel vm5, $0x908, v0;
	v2 =	vsel vm5, $0x1A08, v2;
	v3 =	vsel vm5, $0x2B08, v3  }
0x15: {  	s19 =	simm.s32 $0x1;
	s20 =	simm.s32 $0xD000;
	s21 =	simm.s32 $0x3;
	v4 =	vsel vm5, $0x3C08, v4;
	v0 =	vsel vm4, $0x990, v0;
	v2 =	vsel vm4, $0x1A90, v2  }
0x16: {  	s22 =	simm.s32 $0x2;
	s23 =	simm.s32 $0x11400;
	s24 =	simm.s32 $0x0;
	v3 =	vsel vm4, $0x2B90, v3;
	v4 =	vsel vm4, $0x3C90, v4;
	v0 =	vsel vm3, $0xA18, v0  }
0x17: {  	[smem:$0x7FF] =	sst s2;
	s4 =	sadd.s32 $0xF42A00, s0;
	s5 =	sand.u32 $0x1, s5;
	v2 =	vsel vm3, $0x1B18, v2;
	v3 =	vsel vm3, $0x2C18, v3;
	v4 =	vsel vm3, $0x3D18, v4  }
0x18: {  	s7 =	sshll.u32 s7, $0x3;
	s6 =	ssub.s32 $0x2, s5;
	s8 =	sshll.u32 s5, $0x2;
	v0 =	vsel vm2, $0xAA0, v0;
	v2 =	vsel vm2, $0x1BA0, v2;
	v3 =	vsel vm2, $0x2CA0, v3  }
0x19: {  	s5 =	sadd.s32 $0x600, s0;
	s31 =	sshrl.u32 s6, $0x1;
	s7 =	sor.u32 s8, s7;
	v4 =	vsel vm2, $0x3DA0, v4;
	v0 =	vsel vm1, $0xB28, v0;
	v2 =	vsel vm1, $0x1C28, v2  }
0x1a: {  	s0 =	ssub.s32 s6, s31;
	s6 =	sshll.u32 s7, $0xA;
	s7 =	sshll.u32 s7, $0x7;
	v3 =	vsel vm1, $0x2D28, v3;
	v4 =	vsel vm1, $0x3E28, v4;
	v0 =	vsel vm0, $0xBB0, v0  }
0x1b: {  	_ =	strace $0x80000047;
	s7 =	sadd.s32 s3, s7;
	s8 =	smax.u32 s0, $0x1;
	v2 =	vsel vm0, $0x1CB0, v2;
	v3 =	vsel vm0, $0x2DB0, v3;
	v4 =	vsel vm0, $0x3EB0, v4  }
.LBB2_1:
0x1c: {  	s0 =	simm.s32 $0x15800  }
0x1d: {  	[tilespmem:s0], [sflag:$0x4] =	stream.linear.gather [hbm4b:s5+s2], $0xA00, $0x38;
	[tilespmem:$0x16200] =	vst v63  }
0x1e: {  	_ =	swait.ge [sflag:s10], $0xA00  }
0x1f: {  	[sflag:s10] =	ssyncset.done $0x0  }
0x20: {  	s31 =	simm.s32 $0x1000;
	[sflag:s10] =	ssyncadd.s32 $0xFFFFF600  }
0x21: {  	[tilespmem:s2], [sflag:$0x4] =	stream.strided.gather [hbm4b:s7+s31], $0x5000, s12, s31, $0x38;
	[tilespmem:$0x16200] =	vst v63  }
0x22: {  	_ =	swait.ge [sflag:s10], $0x5000  }
0x23: {  	[sflag:s10] =	ssyncset.done $0x0  }
0x24: {  	[sflag:s10] =	ssyncadd.s32 $0xFFFFB000  }
0x25: {  	[tilespmem:s14], [sflag:$0x1] =	stream.indirect.gather [hbm4b:s4+s13], $0x40, s2, s13, $0xb8;
	[tilespmem:$0x16200] =	vst v63  }
0x26: {  	s25 =	simm.s32 $0x0  }
0x27: {  	[tilespmem:s16], [sflag:$0x1] =	stream.indirect.gather [hbm4b:s4+s13], $0x40, s15, s13, $0xb8;
	[tilespmem:$0x16200] =	vst v63  }
.LBB2_2:
0x28: {  	s0 =	sshll.u32 s25, $0x9;
	s3 =	sshll.u32 s25, $0x7  }
0x29: {  	s0 =	sand.u32 $0x7000, s0;
	s3 =	sand.u32 $0x380, s3  }
0x2a: {  	s0 =	sor.u32 s3, s0  }
0x2b: {  	s3 =	sor.u32 $0x800, s0  }
0x2c: {  	[tilespmem:s17], [sflag:$0x2] =	stream.indirect.gather [hbm4b:s4+s13], $0x40, s3, s13, $0xb8;
	[tilespmem:$0x16200] =	vst v63  }
0x2d: {  	p0 =	seq.s32 s25, $0x0;
	s0 =	sor.u32 $0xC00, s0  }
0x2e: {  	[tilespmem:s18], [sflag:$0x2] =	stream.indirect.gather [hbm4b:s4+s13], $0x40, s0, s13, $0xb8;
	[tilespmem:$0x16200] =	vst v63  }
0x2f: {  	s0 =	simm.s32 @!p0 $0x3  }
0x30: {  	_ =	swait.ge @!p0 [sflag:s0], $0x4000  }
0x31: {  	[sflag:s0] =	ssyncset.done @!p0 $0x0  }
0x32: {  	s9 =	simm.s32 $0x0;
	s11 =	simm.s32 $0x0;
	[sflag:s0] =	ssyncadd.s32 @!p0 $0xFFFFC000  }
0x33: {  	v5 =	vmov s11;
	s0 =	sand.u32 $0x78, s9;
	_ =	swait.ge [sflag:s19], $0x4000  }
0x34: {  	s26 =	sshll.u32 s25, $0x6;
	v5 =	vmul.u32 $0x440, v5;
	v6 =	vmov s0;
	[sflag:s19] =	ssyncset.done $0x0  }
0x35: {  	s26 =	sand.u32 $0x3FFFFFC0, s26;
	v6 =	vshrl.u32 v6, $0x3;
	[sflag:s19] =	ssyncadd.s32 $0xFFFFC000  }
0x36: {  	s28 =	simm.s32 $0x5100;
	v10 =	vbroadcast v5, $0x0;
	v5 =	vshll.u32 v6, v1;
	v7 =	vld [tilespmem:s26+$0x15800]  }
0x37: {  	v13 =	vbroadcast v5, $0x0;
	v5 =	vld [tilespmem:s28+$0xFFFFFF00]  }
0x38: {  	v9 =	vadd.s32 v0, v10  }
0x39: {  	v11 =	vadd.s32 v9, v13;
	_ =	sdelay $0x2  }
0x3a: {  	v8 =	vld [tilespmem:s26+$0x15810];
	v12 =	vadd.f32 v5, v7  }
0x3b: {  	v6 =	vld [tilespmem:s26+$0x15820]  }
0x3c: {  	v5 =	vld [tilespmem:s26+$0x15830];
	[tilespmem:v11+s20+$0x0] =	vst.idx.msk $0xffff, v12  }
0x3d: {  	v11 =	vld [tilespmem:s28+$0xFFFFFF10]  }
0x3e: {  	v12 =	vadd.s32 v2, v10  }
0x3f: {  	v14 =	vadd.s32 v12, v13;
	_ =	sdelay $0x2  }
0x40: {  	v11 =	vadd.f32 v11, v8;
	_ =	sdelay $0x1  }
0x41: {  	[tilespmem:v14+s20+$0x0] =	vst.idx.msk $0xffff, v11  }
0x42: {  	v14 =	vld [tilespmem:s28+$0xFFFFFF20]  }
0x43: {  	v11 =	vadd.s32 v3, v10  }
0x44: {  	v15 =	vadd.s32 v11, v13;
	_ =	sdelay $0x2  }
0x45: {  	v14 =	vadd.f32 v14, v6;
	_ =	sdelay $0x1  }
0x46: {  	[tilespmem:v15+s20+$0x0] =	vst.idx.msk $0xffff, v14  }
0x47: {  	v14 =	vld [tilespmem:s28+$0xFFFFFF30]  }
0x48: {  	v10 =	vadd.s32 v4, v10  }
0x49: {  	s9 =	simm.s32 $0x1;
	v13 =	vadd.s32 v10, v13  }
0x4a: {  	s0 =	sand.u32 $0x78, s9  }
0x4b: {  	v15 =	vmov s0  }
0x4c: {  	v15 =	vshrl.u32 v15, $0x3;
	v14 =	vadd.f32 v14, v5  }
0x4d: {  	v15 =	vshll.u32 v15, v1  }
0x4e: {  	v15 =	vbroadcast v15, $0x0;
	[tilespmem:v13+s20+$0x0] =	vst.idx.msk $0xffff, v14  }
0x4f: {  	v13 =	vld [tilespmem:s28+$0xFFFFFF40]  }
0x50: {  	v14 =	vadd.s32 v9, v15  }
0x51: {  	v14 =	vor.u32 $0x1, v14;
	_ =	sdelay $0x2  }
0x52: {  	v13 =	vadd.f32 v13, v7;
	_ =	sdelay $0x1  }
0x53: {  	[tilespmem:v14+s20+$0x0] =	vst.idx.msk $0xffff, v13  }
0x54: {  	v13 =	vld [tilespmem:s28+$0xFFFFFF50]  }
0x55: {  	v14 =	vadd.s32 v12, v15  }
0x56: {  	v14 =	vor.u32 $0x1, v14;
	_ =	sdelay $0x2  }
0x57: {  	v13 =	vadd.f32 v13, v8;
	_ =	sdelay $0x1  }
0x58: {  	[tilespmem:v14+s20+$0x0] =	vst.idx.msk $0xffff, v13  }
0x59: {  	v13 =	vld [tilespmem:s28+$0xFFFFFF60]  }
0x5a: {  	v14 =	vadd.s32 v11, v15  }
0x5b: {  	v14 =	vor.u32 $0x1, v14;
	_ =	sdelay $0x2  }
0x5c: {  	v13 =	vadd.f32 v13, v6;
	_ =	sdelay $0x1  }
0x5d: {  	[tilespmem:v14+s20+$0x0] =	vst.idx.msk $0xffff, v13  }
0x5e: {  	v13 =	vld [tilespmem:s28+$0xFFFFFF70]  }
0x5f: {  	v14 =	vadd.s32 v10, v15  }
0x60: {  	s11 =	simm.s32 $0x2;
	v14 =	vor.u32 $0x1, v14  }
0x61: {  	s0 =	sand.u32 $0x78, s11  }
0x62: {  	v15 =	vmov s0  }
0x63: {  	v15 =	vshrl.u32 v15, $0x3;
	v13 =	vadd.f32 v13, v5  }
0x64: {  	v15 =	vshll.u32 v15, v1  }
0x65: {  	v15 =	vbroadcast v15, $0x0;
	[tilespmem:v14+s20+$0x0] =	vst.idx.msk $0xffff, v13  }
0x66: {  	v13 =	vld [tilespmem:s28+$0xFFFFFF80]  }
0x67: {  	v14 =	vadd.s32 v9, v15  }
0x68: {  	v14 =	vor.u32 $0x2, v14;
	_ =	sdelay $0x2  }
0x69: {  	v13 =	vadd.f32 v13, v7;
	_ =	sdelay $0x1  }
0x6a: {  	[tilespmem:v14+s20+$0x0] =	vst.idx.msk $0xffff, v13  }
0x6b: {  	v13 =	vld [tilespmem:s28+$0xFFFFFF90]  }
0x6c: {  	v14 =	vadd.s32 v12, v15  }
0x6d: {  	v14 =	vor.u32 $0x2, v14;
	_ =	sdelay $0x2  }
0x6e: {  	v13 =	vadd.f32 v13, v8;
	_ =	sdelay $0x1  }
0x6f: {  	[tilespmem:v14+s20+$0x0] =	vst.idx.msk $0xffff, v13  }
0x70: {  	v13 =	vld [tilespmem:s28+$0xFFFFFFA0]  }
0x71: {  	v14 =	vadd.s32 v11, v15  }
0x72: {  	v14 =	vor.u32 $0x2, v14;
	_ =	sdelay $0x2  }
0x73: {  	v13 =	vadd.f32 v13, v6;
	_ =	sdelay $0x1  }
0x74: {  	[tilespmem:v14+s20+$0x0] =	vst.idx.msk $0xffff, v13  }
0x75: {  	v13 =	vld [tilespmem:s28+$0xFFFFFFB0]  }
0x76: {  	v14 =	vadd.s32 v10, v15  }
0x77: {  	s3 =	simm.s32 $0x3;
	v14 =	vor.u32 $0x2, v14  }
0x78: {  	s0 =	sand.u32 $0x78, s3  }
0x79: {  	v15 =	vmov s0  }
0x7a: {  	v15 =	vshrl.u32 v15, $0x3;
	v13 =	vadd.f32 v13, v5  }
0x7b: {  	v15 =	vshll.u32 v15, v1  }
0x7c: {  	v15 =	vbroadcast v15, $0x0;
	[tilespmem:v14+s20+$0x0] =	vst.idx.msk $0xffff, v13  }
0x7d: {  	v13 =	vld [tilespmem:s28+$0xFFFFFFC0]  }
0x7e: {  	v14 =	vadd.s32 v9, v15  }
0x7f: {  	v14 =	vor.u32 $0x3, v14;
	_ =	sdelay $0x2  }
0x80: {  	v13 =	vadd.f32 v13, v7;
	_ =	sdelay $0x1  }
0x81: {  	[tilespmem:v14+s20+$0x0] =	vst.idx.msk $0xffff, v13  }
0x82: {  	v13 =	vld [tilespmem:s28+$0xFFFFFFD0]  }
0x83: {  	v14 =	vadd.s32 v12, v15  }
0x84: {  	v14 =	vor.u32 $0x3, v14;
	_ =	sdelay $0x2  }
0x85: {  	v13 =	vadd.f32 v13, v8;
	_ =	sdelay $0x1  }
0x86: {  	[tilespmem:v14+s20+$0x0] =	vst.idx.msk $0xffff, v13  }
0x87: {  	v13 =	vld [tilespmem:s28+$0xFFFFFFE0]  }
0x88: {  	v14 =	vadd.s32 v11, v15  }
0x89: {  	v14 =	vor.u32 $0x3, v14;
	_ =	sdelay $0x2  }
0x8a: {  	v13 =	vadd.f32 v13, v6;
	_ =	sdelay $0x1  }
0x8b: {  	[tilespmem:v14+s20+$0x0] =	vst.idx.msk $0xffff, v13  }
0x8c: {  	v13 =	vld [tilespmem:s28+$0xFFFFFFF0]  }
0x8d: {  	v14 =	vadd.s32 v10, v15  }
0x8e: {  	s9 =	simm.s32 $0x4;
	v14 =	vor.u32 $0x3, v14  }
0x8f: {  	s0 =	sand.u32 $0x78, s9  }
0x90: {  	v15 =	vmov s0  }
0x91: {  	v15 =	vshrl.u32 v15, $0x3;
	v13 =	vadd.f32 v13, v5  }
0x92: {  	v15 =	vshll.u32 v15, v1  }
0x93: {  	v15 =	vbroadcast v15, $0x0;
	[tilespmem:v14+s20+$0x0] =	vst.idx.msk $0xffff, v13  }
0x94: {  	v13 =	vld [tilespmem:s28+$0x0]  }
0x95: {  	v14 =	vadd.s32 v9, v15  }
0x96: {  	v14 =	vor.u32 $0x4, v14;
	_ =	sdelay $0x2  }
0x97: {  	v13 =	vadd.f32 v13, v7;
	_ =	sdelay $0x1  }
0x98: {  	[tilespmem:v14+s20+$0x0] =	vst.idx.msk $0xffff, v13  }
0x99: {  	v13 =	vld [tilespmem:s28+$0x10]  }
0x9a: {  	v14 =	vadd.s32 v12, v15  }
0x9b: {  	v14 =	vor.u32 $0x4, v14;
	_ =	sdelay $0x2  }
0x9c: {  	v13 =	vadd.f32 v13, v8;
	_ =	sdelay $0x1  }
0x9d: {  	[tilespmem:v14+s20+$0x0] =	vst.idx.msk $0xffff, v13  }
0x9e: {  	v13 =	vld [tilespmem:s28+$0x20]  }
0x9f: {  	v14 =	vadd.s32 v11, v15  }
0xa0: {  	v14 =	vor.u32 $0x4, v14;
	_ =	sdelay $0x2  }
0xa1: {  	v13 =	vadd.f32 v13, v6;
	_ =	sdelay $0x1  }
0xa2: {  	[tilespmem:v14+s20+$0x0] =	vst.idx.msk $0xffff, v13  }
0xa3: {  	v13 =	vld [tilespmem:s28+$0x30]  }
0xa4: {  	v14 =	vadd.s32 v10, v15  }
0xa5: {  	s11 =	simm.s32 $0x5;
	v14 =	vor.u32 $0x4, v14  }
0xa6: {  	s0 =	sand.u32 $0x78, s11  }
0xa7: {  	v15 =	vmov s0  }
0xa8: {  	v15 =	vshrl.u32 v15, $0x3;
	v13 =	vadd.f32 v13, v5  }
0xa9: {  	v15 =	vshll.u32 v15, v1  }
0xaa: {  	v15 =	vbroadcast v15, $0x0;
	[tilespmem:v14+s20+$0x0] =	vst.idx.msk $0xffff, v13  }
0xab: {  	v13 =	vld [tilespmem:s28+$0x40]  }
0xac: {  	v14 =	vadd.s32 v9, v15  }
0xad: {  	v14 =	vor.u32 $0x5, v14;
	_ =	sdelay $0x2  }
0xae: {  	v13 =	vadd.f32 v13, v7;
	_ =	sdelay $0x1  }
0xaf: {  	[tilespmem:v14+s20+$0x0] =	vst.idx.msk $0xffff, v13  }
0xb0: {  	v13 =	vld [tilespmem:s28+$0x50]  }
0xb1: {  	v14 =	vadd.s32 v12, v15  }
0xb2: {  	v14 =	vor.u32 $0x5, v14;
	_ =	sdelay $0x2  }
0xb3: {  	v13 =	vadd.f32 v13, v8;
	_ =	sdelay $0x1  }
0xb4: {  	[tilespmem:v14+s20+$0x0] =	vst.idx.msk $0xffff, v13  }
0xb5: {  	v13 =	vld [tilespmem:s28+$0x60]  }
0xb6: {  	v14 =	vadd.s32 v11, v15  }
0xb7: {  	v14 =	vor.u32 $0x5, v14;
	_ =	sdelay $0x2  }
0xb8: {  	v13 =	vadd.f32 v13, v6;
	_ =	sdelay $0x1  }
0xb9: {  	[tilespmem:v14+s20+$0x0] =	vst.idx.msk $0xffff, v13  }
0xba: {  	v13 =	vld [tilespmem:s28+$0x70]  }
0xbb: {  	v14 =	vadd.s32 v10, v15  }
0xbc: {  	s3 =	simm.s32 $0x6;
	v14 =	vor.u32 $0x5, v14  }
0xbd: {  	s0 =	sand.u32 $0x78, s3  }
0xbe: {  	v15 =	vmov s0  }
0xbf: {  	v15 =	vshrl.u32 v15, $0x3;
	v13 =	vadd.f32 v13, v5  }
0xc0: {  	v15 =	vshll.u32 v15, v1  }
0xc1: {  	v15 =	vbroadcast v15, $0x0;
	[tilespmem:v14+s20+$0x0] =	vst.idx.msk $0xffff, v13  }
0xc2: {  	v13 =	vld [tilespmem:s28+$0x80]  }
0xc3: {  	v14 =	vadd.s32 v9, v15  }
0xc4: {  	v14 =	vor.u32 $0x6, v14;
	_ =	sdelay $0x2  }
0xc5: {  	v13 =	vadd.f32 v13, v7;
	_ =	sdelay $0x1  }
0xc6: {  	[tilespmem:v14+s20+$0x0] =	vst.idx.msk $0xffff, v13  }
0xc7: {  	v13 =	vld [tilespmem:s28+$0x90]  }
0xc8: {  	v14 =	vadd.s32 v12, v15  }
0xc9: {  	v14 =	vor.u32 $0x6, v14;
	_ =	sdelay $0x2  }
0xca: {  	v13 =	vadd.f32 v13, v8;
	_ =	sdelay $0x1  }
0xcb: {  	[tilespmem:v14+s20+$0x0] =	vst.idx.msk $0xffff, v13  }
0xcc: {  	v13 =	vld [tilespmem:s28+$0xA0]  }
0xcd: {  	v14 =	vadd.s32 v11, v15  }
0xce: {  	v14 =	vor.u32 $0x6, v14;
	_ =	sdelay $0x2  }
0xcf: {  	v13 =	vadd.f32 v13, v6;
	_ =	sdelay $0x1  }
0xd0: {  	[tilespmem:v14+s20+$0x0] =	vst.idx.msk $0xffff, v13  }
0xd1: {  	v13 =	vld [tilespmem:s28+$0xB0]  }
0xd2: {  	v14 =	vadd.s32 v10, v15  }
0xd3: {  	s9 =	simm.s32 $0x7;
	v14 =	vor.u32 $0x6, v14  }
0xd4: {  	s0 =	sand.u32 $0x78, s9  }
0xd5: {  	v15 =	vmov s0  }
0xd6: {  	v15 =	vshrl.u32 v15, $0x3;
	v13 =	vadd.f32 v13, v5  }
0xd7: {  	v15 =	vshll.u32 v15, v1  }
0xd8: {  	v15 =	vbroadcast v15, $0x0;
	[tilespmem:v14+s20+$0x0] =	vst.idx.msk $0xffff, v13  }
0xd9: {  	v13 =	vld [tilespmem:s28+$0xC0]  }
0xda: {  	v9 =	vadd.s32 v9, v15  }
0xdb: {  	v9 =	vor.u32 $0x7, v9;
	_ =	sdelay $0x2  }
0xdc: {  	v13 =	vadd.f32 v13, v7;
	_ =	sdelay $0x1  }
0xdd: {  	[tilespmem:v9+s20+$0x0] =	vst.idx.msk $0xffff, v13  }
0xde: {  	v9 =	vld [tilespmem:s28+$0xD0]  }
0xdf: {  	v12 =	vadd.s32 v12, v15  }
0xe0: {  	v12 =	vor.u32 $0x7, v12;
	_ =	sdelay $0x2  }
0xe1: {  	v9 =	vadd.f32 v9, v8;
	_ =	sdelay $0x1  }
0xe2: {  	[tilespmem:v12+s20+$0x0] =	vst.idx.msk $0xffff, v9  }
0xe3: {  	v9 =	vld [tilespmem:s28+$0xE0]  }
0xe4: {  	v11 =	vadd.s32 v11, v15  }
0xe5: {  	s9 =	simm.s32 $0x9;
	v12 =	vor.u32 $0x7, v11  }
0xe6: {  	s9 =	sand.u32 $0x78, s9  }
0xe7: {  	s29 =	simm.s32 $0xF;
	s11 =	simm.s32 $0x0;
	s0 =	simm.s32 $0x8;
	v13 =	vmov s9  }
0xe8: {  	s30 =	simm.s32 $0x17;
	s0 =	sand.u32 $0x78, s0;
	v11 =	vadd.s32 v10, v15;
	v10 =	vmov s11;
	s11 =	simm.s32 $0xB;
	v14 =	vadd.f32 v9, v6  }
0xe9: {  	s9 =	simm.s32 $0xC;
	v13 =	vshrl.u32 v13, $0x3;
	v10 =	vmul.u32 $0x440, v10;
	s3 =	sand.u32 $0x78, s11;
	s11 =	simm.s32 $0xE  }
0xea: {  	s31 =	simm.s32 $0x1;
	v16 =	vmov s3;
	s3 =	sand.u32 $0x78, s9;
	v9 =	vor.u32 $0x7, v11;
	v11 =	vmov s0;
	s0 =	sand.u32 $0x78, s11;
	[tilespmem:v12+s20+$0x0] =	vst.idx.msk $0xffff, v14  }
.LBB2_3:
0xeb: {  	p0 =	sne.s32 s30, $0xFF  }
0xec: {  	v10 =	vbroadcast v10, $0x0;
	v12 =	vshll.u32 v13, v1;
	v13 =	vmov s3;
	v14 =	vld [tilespmem:s28+$0xF0];
	s28 =	sadd.s32 $0x200, s28;
	s3 =	smov.u32 s30;
	s30 =	sadd.s32 $0x8, s30  }
0xed: {  	v11 =	vshrl.u32 v11, $0x3;
	v15 =	vmov s0;
	v12 =	vbroadcast v12, $0x0  }
0xee: {  	s0 =	sadd.s32 $0xFFFFFFFB, s29;
	v13 =	vshrl.u32 v13, $0x3;
	v26 =	vadd.s32 v3, v10;
	v27 =	vadd.s32 v4, v10  }
0xef: {  	s0 =	sand.u32 $0x78, s0;
	v28 =	vadd.s32 v2, v10;
	v17 =	vadd.s32 v26, v12  }
0xf0: {  	v29 =	vadd.s32 v0, v10;
	v10 =	vshll.u32 v13, v1;
	v30 =	vor.u32 $0x1, v17  }
0xf1: {  	s9 =	sadd.s32 $0xFFFFFFFE, s29;
	v11 =	vshll.u32 v11, v1;
	v31 =	vadd.s32 v28, v12;
	v13 =	vadd.f32 v14, v5  }
0xf2: {  	s9 =	sand.u32 $0x78, s9;
	v11 =	vbroadcast v11, $0x0;
	v10 =	vbroadcast v10, $0x0;
	v14 =	vshrl.u32 v15, $0x3  }
0xf3: {  	v17 =	vmov s9;
	v15 =	vmov s0;
	s0 =	sand.u32 $0x78, s29;
	s29 =	smov.u32 s3;
	v14 =	vshll.u32 v14, v1;
	[tilespmem:v9+s20+$0x0] =	vst.idx.msk $0xffff, v13  }
0xf4: {  	v32 =	vadd.s32 v29, v12;
	v33 =	vadd.s32 v27, v12;
	v12 =	vmov s0;
	v9 =	vld [tilespmem:s28+$0xFFFFFF00]  }
0xf5: {  	v34 =	vadd.s32 v28, v11;
	v35 =	vadd.s32 v26, v11;
	v12 =	vshrl.u32 v12, $0x3  }
0xf6: {  	v21 =	vadd.s32 v26, v10;
	v17 =	vshrl.u32 v17, $0x3;
	v13 =	vadd.s32 v29, v11  }
0xf7: {  	v25 =	vadd.s32 v29, v10;
	v24 =	vadd.s32 v28, v10;
	v12 =	vshll.u32 v12, v1  }
0xf8: {  	v36 =	vadd.s32 v27, v11;
	v11 =	vshll.u32 v17, v1;
	v18 =	vbroadcast v14, $0x0  }
0xf9: {  	v14 =	vshrl.u32 v15, $0x3;
	v11 =	vbroadcast v11, $0x0;
	v9 =	vadd.f32 v9, v7  }
0xfa: {  	v22 =	vadd.s32 v27, v10;
	v15 =	vshll.u32 v14, v1;
	v14 =	vadd.s32 v26, v18  }
0xfb: {  	v17 =	vadd.s32 v29, v18;
	[tilespmem:v13+s20+$0x0] =	vst.idx.msk $0xffff, v9;
	v9 =	vbroadcast v15, $0x0;
	v15 =	vadd.s32 v28, v18  }
0xfc: {  	v38 =	vbroadcast v12, $0x0;
	v13 =	vadd.s32 v27, v18;
	v37 =	vld [tilespmem:s28+$0xFFFFFF10]  }
0xfd: {  	v23 =	vadd.s32 v29, v11;
	v39 =	vadd.s32 v29, v9;
	v40 =	vadd.s32 v28, v9  }
0xfe: {  	v20 =	vadd.s32 v28, v11;
	v19 =	vadd.s32 v26, v11;
	v18 =	vadd.s32 v27, v11  }
0xff: {  	v12 =	vadd.s32 v29, v38;
	v41 =	vadd.s32 v26, v9;
	v42 =	vadd.s32 v27, v9  }
0x100: {  	v10 =	vadd.s32 v26, v38;
	v11 =	vadd.s32 v28, v38;
	v9 =	vadd.s32 v27, v38  }
0x101: {  	v37 =	vadd.f32 v37, v8;
	_ =	sdelay $0x1  }
0x102: {  	[tilespmem:v34+s20+$0x0] =	vst.idx.msk $0xffff, v37  }
0x103: {  	v34 =	vld [tilespmem:s28+$0xFFFFFF20];
	_ =	sdelay $0x4  }
0x104: {  	v34 =	vadd.f32 v34, v6;
	_ =	sdelay $0x1  }
0x105: {  	[tilespmem:v35+s20+$0x0] =	vst.idx.msk $0xffff, v34  }
0x106: {  	v34 =	vld [tilespmem:s28+$0xFFFFFF30];
	_ =	sdelay $0x2  }
0x107: {  	v32 =	vor.u32 $0x1, v32;
	_ =	sdelay $0x1  }
0x108: {  	v34 =	vadd.f32 v34, v5;
	_ =	sdelay $0x1  }
0x109: {  	[tilespmem:v36+s20+$0x0] =	vst.idx.msk $0xffff, v34  }
0x10a: {  	v34 =	vld [tilespmem:s28+$0xFFFFFF40];
	_ =	sdelay $0x2  }
0x10b: {  	v31 =	vor.u32 $0x1, v31;
	_ =	sdelay $0x1  }
0x10c: {  	v34 =	vadd.f32 v34, v7;
	_ =	sdelay $0x1  }
0x10d: {  	[tilespmem:v32+s20+$0x0] =	vst.idx.msk $0xffff, v34  }
0x10e: {  	v32 =	vld [tilespmem:s28+$0xFFFFFF50];
	_ =	sdelay $0x4  }
0x10f: {  	v32 =	vadd.f32 v32, v8;
	_ =	sdelay $0x1  }
0x110: {  	[tilespmem:v31+s20+$0x0] =	vst.idx.msk $0xffff, v32  }
0x111: {  	v31 =	vld [tilespmem:s28+$0xFFFFFF60];
	_ =	sdelay $0x2  }
0x112: {  	v32 =	vor.u32 $0x1, v33;
	_ =	sdelay $0x1  }
0x113: {  	v31 =	vadd.f32 v31, v6;
	_ =	sdelay $0x1  }
0x114: {  	[tilespmem:v30+s20+$0x0] =	vst.idx.msk $0xffff, v31  }
0x115: {  	v30 =	vld [tilespmem:s28+$0xFFFFFF70];
	_ =	sdelay $0x4  }
0x116: {  	v30 =	vadd.f32 v30, v5;
	_ =	sdelay $0x1  }
0x117: {  	[tilespmem:v32+s20+$0x0] =	vst.idx.msk $0xffff, v30  }
0x118: {  	v30 =	vld [tilespmem:s28+$0xFFFFFF80];
	_ =	sdelay $0x1  }
0x119: {  	v31 =	vor.u32 $0x2, v39;
	_ =	sdelay $0x2  }
0x11a: {  	v30 =	vadd.f32 v30, v7;
	_ =	sdelay $0x1  }
0x11b: {  	[tilespmem:v31+s20+$0x0] =	vst.idx.msk $0xffff, v30  }
0x11c: {  	v30 =	vld [tilespmem:s28+$0xFFFFFF90];
	_ =	sdelay $0x1  }
0x11d: {  	v31 =	vor.u32 $0x2, v40;
	_ =	sdelay $0x2  }
0x11e: {  	v30 =	vadd.f32 v30, v8;
	_ =	sdelay $0x1  }
0x11f: {  	[tilespmem:v31+s20+$0x0] =	vst.idx.msk $0xffff, v30  }
0x120: {  	v30 =	vld [tilespmem:s28+$0xFFFFFFA0];
	_ =	sdelay $0x1  }
0x121: {  	v31 =	vor.u32 $0x2, v41;
	_ =	sdelay $0x2  }
0x122: {  	v30 =	vadd.f32 v30, v6;
	_ =	sdelay $0x1  }
0x123: {  	[tilespmem:v31+s20+$0x0] =	vst.idx.msk $0xffff, v30  }
0x124: {  	v30 =	vld [tilespmem:s28+$0xFFFFFFB0]  }
0x125: {  	v16 =	vshrl.u32 v16, $0x3  }
0x126: {  	v16 =	vshll.u32 v16, v1;
	v31 =	vor.u32 $0x2, v42  }
0x127: {  	v16 =	vbroadcast v16, $0x0;
	_ =	sdelay $0x1  }
0x128: {  	v29 =	vadd.s32 v29, v16;
	v28 =	vadd.s32 v28, v16;
	v30 =	vadd.f32 v30, v5  }
0x129: {  	v26 =	vadd.s32 v26, v16;
	v16 =	vadd.s32 v27, v16;
	v29 =	vor.u32 $0x3, v29  }
0x12a: {  	[tilespmem:v31+s20+$0x0] =	vst.idx.msk $0xffff, v30  }
0x12b: {  	v27 =	vld [tilespmem:s28+$0xFFFFFFC0];
	_ =	sdelay $0x4  }
0x12c: {  	v27 =	vadd.f32 v27, v7  }
0x12d: {  	v28 =	vor.u32 $0x3, v28  }
0x12e: {  	[tilespmem:v29+s20+$0x0] =	vst.idx.msk $0xffff, v27  }
0x12f: {  	v27 =	vld [tilespmem:s28+$0xFFFFFFD0];
	_ =	sdelay $0x4  }
0x130: {  	v27 =	vadd.f32 v27, v8  }
0x131: {  	v26 =	vor.u32 $0x3, v26  }
0x132: {  	[tilespmem:v28+s20+$0x0] =	vst.idx.msk $0xffff, v27  }
0x133: {  	v27 =	vld [tilespmem:s28+$0xFFFFFFE0];
	_ =	sdelay $0x4  }
0x134: {  	v27 =	vadd.f32 v27, v6  }
0x135: {  	v16 =	vor.u32 $0x3, v16  }
0x136: {  	[tilespmem:v26+s20+$0x0] =	vst.idx.msk $0xffff, v27  }
0x137: {  	v26 =	vld [tilespmem:s28+$0xFFFFFFF0];
	_ =	sdelay $0x4  }
0x138: {  	v26 =	vadd.f32 v26, v5;
	_ =	sdelay $0x1  }
0x139: {  	[tilespmem:v16+s20+$0x0] =	vst.idx.msk $0xffff, v26;
	v16 =	vor.u32 $0x4, v25  }
0x13a: {  	v25 =	vld [tilespmem:s28+$0x0];
	_ =	sdelay $0x4  }
0x13b: {  	v25 =	vadd.f32 v25, v7;
	_ =	sdelay $0x1  }
0x13c: {  	[tilespmem:v16+s20+$0x0] =	vst.idx.msk $0xffff, v25;
	v16 =	vor.u32 $0x4, v24  }
0x13d: {  	v24 =	vld [tilespmem:s28+$0x10];
	_ =	sdelay $0x4  }
0x13e: {  	v24 =	vadd.f32 v24, v8;
	_ =	sdelay $0x1  }
0x13f: {  	[tilespmem:v16+s20+$0x0] =	vst.idx.msk $0xffff, v24;
	v16 =	vor.u32 $0x4, v21  }
0x140: {  	v21 =	vld [tilespmem:s28+$0x20];
	_ =	sdelay $0x4  }
0x141: {  	v21 =	vadd.f32 v21, v6;
	_ =	sdelay $0x1  }
0x142: {  	[tilespmem:v16+s20+$0x0] =	vst.idx.msk $0xffff, v21;
	v16 =	vor.u32 $0x4, v22  }
0x143: {  	v21 =	vld [tilespmem:s28+$0x30];
	_ =	sdelay $0x4  }
0x144: {  	v21 =	vadd.f32 v21, v5;
	_ =	sdelay $0x1  }
0x145: {  	[tilespmem:v16+s20+$0x0] =	vst.idx.msk $0xffff, v21  }
0x146: {  	v21 =	vor.u32 $0x5, v23;
	v16 =	vld [tilespmem:s28+$0x40];
	_ =	sdelay $0x4  }
0x147: {  	v16 =	vadd.f32 v16, v7;
	_ =	sdelay $0x1  }
0x148: {  	[tilespmem:v21+s20+$0x0] =	vst.idx.msk $0xffff, v16  }
0x149: {  	v20 =	vor.u32 $0x5, v20;
	v16 =	vld [tilespmem:s28+$0x50];
	_ =	sdelay $0x4  }
0x14a: {  	v16 =	vadd.f32 v16, v8;
	_ =	sdelay $0x1  }
0x14b: {  	[tilespmem:v20+s20+$0x0] =	vst.idx.msk $0xffff, v16  }
0x14c: {  	v19 =	vor.u32 $0x5, v19;
	v16 =	vld [tilespmem:s28+$0x60];
	_ =	sdelay $0x4  }
0x14d: {  	v16 =	vadd.f32 v16, v6;
	_ =	sdelay $0x1  }
0x14e: {  	[tilespmem:v19+s20+$0x0] =	vst.idx.msk $0xffff, v16  }
0x14f: {  	v18 =	vor.u32 $0x5, v18;
	v16 =	vld [tilespmem:s28+$0x70];
	_ =	sdelay $0x4  }
0x150: {  	v16 =	vadd.f32 v16, v5;
	_ =	sdelay $0x1  }
0x151: {  	[tilespmem:v18+s20+$0x0] =	vst.idx.msk $0xffff, v16;
	v16 =	vor.u32 $0x6, v17  }
0x152: {  	v17 =	vld [tilespmem:s28+$0x80];
	_ =	sdelay $0x4  }
0x153: {  	v17 =	vadd.f32 v17, v7;
	_ =	sdelay $0x1  }
0x154: {  	v15 =	vor.u32 $0x6, v15;
	[tilespmem:v16+s20+$0x0] =	vst.idx.msk $0xffff, v17  }
0x155: {  	v16 =	vld [tilespmem:s28+$0x90];
	_ =	sdelay $0x4  }
0x156: {  	v16 =	vadd.f32 v16, v8;
	_ =	sdelay $0x1  }
0x157: {  	v14 =	vor.u32 $0x6, v14;
	[tilespmem:v15+s20+$0x0] =	vst.idx.msk $0xffff, v16  }
0x158: {  	v15 =	vld [tilespmem:s28+$0xA0];
	_ =	sdelay $0x4  }
0x159: {  	v15 =	vadd.f32 v15, v6;
	_ =	sdelay $0x1  }
0x15a: {  	v13 =	vor.u32 $0x6, v13;
	[tilespmem:v14+s20+$0x0] =	vst.idx.msk $0xffff, v15  }
0x15b: {  	v14 =	vld [tilespmem:s28+$0xB0];
	_ =	sdelay $0x4  }
0x15c: {  	v14 =	vadd.f32 v14, v5;
	_ =	sdelay $0x1  }
0x15d: {  	[tilespmem:v13+s20+$0x0] =	vst.idx.msk $0xffff, v14  }
0x15e: {  	v13 =	vld [tilespmem:s28+$0xC0];
	_ =	sdelay $0x1  }
0x15f: {  	v12 =	vor.u32 $0x7, v12;
	_ =	sdelay $0x2  }
0x160: {  	v13 =	vadd.f32 v13, v7;
	_ =	sdelay $0x1  }
0x161: {  	[tilespmem:v12+s20+$0x0] =	vst.idx.msk $0xffff, v13  }
0x162: {  	v12 =	vld [tilespmem:s28+$0xD0];
	_ =	sdelay $0x1  }
0x163: {  	v11 =	vor.u32 $0x7, v11;
	_ =	sdelay $0x2  }
0x164: {  	v12 =	vadd.f32 v12, v8;
	_ =	sdelay $0x1  }
0x165: {  	[tilespmem:v11+s20+$0x0] =	vst.idx.msk $0xffff, v12  }
0x166: {  	v11 =	vld [tilespmem:s28+$0xE0];
	_ =	sdelay $0x1  }
0x167: {  	v12 =	vor.u32 $0x7, v10  }
.Ltmp0:
0x168: {  	s31 =	sadd.s32 $0x1, s31;
	(pc) =	sbr.rel @p0 .LBB2_3-.Ltmp0, $4  }
0x169: {  	s3 =	sshrl.u32 s31, $0x4;
	s0 =	sadd.s32 $0xFFFFFFF9, s29;
	s9 =	sadd.s32 $0xFFFFFFFA, s29  }
0x16a: {  	s0 =	sand.u32 $0x78, s0;
	v10 =	vmov s3;
	s3 =	sand.u32 $0x78, s9;
	s9 =	sadd.s32 $0xFFFFFFFC, s29;
	v14 =	vadd.f32 v11, v6  }
0x16b: {  	s11 =	sadd.s32 $0xFFFFFFFF, s29;
	v9 =	vor.u32 $0x7, v9;
	v10 =	vmul.u32 $0x440, v10;
	v13 =	vmov s3;
	s3 =	sand.u32 $0x78, s9;
	s9 =	sadd.s32 $0xFFFFFFFD, s29  }
0x16c: {  	v13 =	vshrl.u32 v13, $0x3;
	v16 =	vmov s3;
	s3 =	sand.u32 $0x78, s9;
	v11 =	vmov s0;
	s0 =	sand.u32 $0x78, s11;
	[tilespmem:v12+s20+$0x0] =	vst.idx.msk $0xffff, v14  }
0x16d: {  	v12 =	vld [tilespmem:s28+$0xF0];
	_ =	sdelay $0x4  }
0x16e: {  	v12 =	vadd.f32 v12, v5  }
0x16f: {  	v11 =	vshrl.u32 v11, $0x3  }
0x170: {  	v10 =	vbroadcast v10, $0x0;
	s28 =	sadd.s32 $0x200, s28;
	v11 =	vshll.u32 v11, v1;
	[tilespmem:v9+s20+$0x0] =	vst.idx.msk $0xffff, v12  }
0x171: {  	v14 =	vbroadcast v11, $0x0;
	v9 =	vld [tilespmem:s28+$0xFFFFFF00]  }
0x172: {  	v31 =	vadd.s32 v0, v10  }
0x173: {  	v11 =	vadd.s32 v31, v14;
	_ =	sdelay $0x2  }
0x174: {  	v9 =	vadd.f32 v9, v7;
	_ =	sdelay $0x1  }
0x175: {  	[tilespmem:v11+s20+$0x0] =	vst.idx.msk $0xffff, v9  }
0x176: {  	v9 =	vld [tilespmem:s28+$0xFFFFFF10]  }
0x177: {  	v32 =	vadd.s32 v2, v10  }
0x178: {  	v15 =	vadd.s32 v32, v14;
	_ =	sdelay $0x2  }
0x179: {  	v9 =	vadd.f32 v9, v8;
	_ =	sdelay $0x1  }
0x17a: {  	[tilespmem:v15+s20+$0x0] =	vst.idx.msk $0xffff, v9  }
0x17b: {  	v15 =	vld [tilespmem:s28+$0xFFFFFF20]  }
0x17c: {  	v33 =	vadd.s32 v3, v10  }
0x17d: {  	v17 =	vadd.s32 v33, v14;
	_ =	sdelay $0x2  }
0x17e: {  	v15 =	vadd.f32 v15, v6;
	_ =	sdelay $0x1  }
0x17f: {  	[tilespmem:v17+s20+$0x0] =	vst.idx.msk $0xffff, v15  }
0x180: {  	v15 =	vld [tilespmem:s28+$0xFFFFFF30]  }
0x181: {  	v10 =	vadd.s32 v4, v10  }
0x182: {  	v14 =	vadd.s32 v10, v14;
	_ =	sdelay $0x2  }
0x183: {  	v15 =	vadd.f32 v15, v5  }
0x184: {  	v13 =	vshll.u32 v13, v1  }
0x185: {  	v13 =	vbroadcast v13, $0x0;
	[tilespmem:v14+s20+$0x0] =	vst.idx.msk $0xffff, v15  }
0x186: {  	v14 =	vld [tilespmem:s28+$0xFFFFFF40]  }
0x187: {  	v34 =	vadd.s32 v31, v13  }
0x188: {  	v15 =	vor.u32 $0x1, v34;
	_ =	sdelay $0x2  }
0x189: {  	v14 =	vadd.f32 v14, v7;
	_ =	sdelay $0x1  }
0x18a: {  	[tilespmem:v15+s20+$0x0] =	vst.idx.msk $0xffff, v14  }
0x18b: {  	v14 =	vld [tilespmem:s28+$0xFFFFFF50]  }
0x18c: {  	v35 =	vadd.s32 v32, v13  }
0x18d: {  	v15 =	vor.u32 $0x1, v35;
	_ =	sdelay $0x2  }
0x18e: {  	v14 =	vadd.f32 v14, v8;
	_ =	sdelay $0x1  }
0x18f: {  	[tilespmem:v15+s20+$0x0] =	vst.idx.msk $0xffff, v14  }
0x190: {  	v14 =	vld [tilespmem:s28+$0xFFFFFF60]  }
0x191: {  	v36 =	vadd.s32 v33, v13  }
0x192: {  	v15 =	vor.u32 $0x1, v36;
	_ =	sdelay $0x2  }
0x193: {  	v14 =	vadd.f32 v14, v6;
	_ =	sdelay $0x1  }
0x194: {  	[tilespmem:v15+s20+$0x0] =	vst.idx.msk $0xffff, v14  }
0x195: {  	v14 =	vld [tilespmem:s28+$0xFFFFFF70]  }
0x196: {  	v13 =	vadd.s32 v10, v13  }
0x197: {  	s9 =	sadd.s32 $0xFFFFFFFB, s29;
	v13 =	vor.u32 $0x1, v13  }
0x198: {  	s9 =	sand.u32 $0x78, s9  }
0x199: {  	v37 =	vmov s9  }
0x19a: {  	v15 =	vshrl.u32 v37, $0x3;
	v14 =	vadd.f32 v14, v5  }
0x19b: {  	v15 =	vshll.u32 v15, v1  }
0x19c: {  	v15 =	vbroadcast v15, $0x0;
	[tilespmem:v13+s20+$0x0] =	vst.idx.msk $0xffff, v14  }
0x19d: {  	v13 =	vld [tilespmem:s28+$0xFFFFFF80]  }
0x19e: {  	v38 =	vadd.s32 v31, v15  }
0x19f: {  	v14 =	vor.u32 $0x2, v38;
	_ =	sdelay $0x2  }
0x1a0: {  	v13 =	vadd.f32 v13, v7;
	_ =	sdelay $0x1  }
0x1a1: {  	[tilespmem:v14+s20+$0x0] =	vst.idx.msk $0xffff, v13  }
0x1a2: {  	v13 =	vld [tilespmem:s28+$0xFFFFFF90]  }
0x1a3: {  	v39 =	vadd.s32 v32, v15  }
0x1a4: {  	v14 =	vor.u32 $0x2, v39;
	_ =	sdelay $0x2  }
0x1a5: {  	v13 =	vadd.f32 v13, v8;
	_ =	sdelay $0x1  }
0x1a6: {  	[tilespmem:v14+s20+$0x0] =	vst.idx.msk $0xffff, v13  }
0x1a7: {  	v13 =	vld [tilespmem:s28+$0xFFFFFFA0]  }
0x1a8: {  	v40 =	vadd.s32 v33, v15  }
0x1a9: {  	v14 =	vor.u32 $0x2, v40;
	_ =	sdelay $0x2  }
0x1aa: {  	v13 =	vadd.f32 v13, v6;
	_ =	sdelay $0x1  }
0x1ab: {  	[tilespmem:v14+s20+$0x0] =	vst.idx.msk $0xffff, v13  }
0x1ac: {  	v13 =	vld [tilespmem:s28+$0xFFFFFFB0]  }
0x1ad: {  	v41 =	vadd.s32 v10, v15  }
0x1ae: {  	v14 =	vor.u32 $0x2, v41;
	_ =	sdelay $0x2  }
0x1af: {  	v42 =	vshrl.u32 v16, $0x3;
	v13 =	vadd.f32 v13, v5  }
0x1b0: {  	v15 =	vshll.u32 v42, v1  }
0x1b1: {  	v15 =	vbroadcast v15, $0x0;
	[tilespmem:v14+s20+$0x0] =	vst.idx.msk $0xffff, v13  }
0x1b2: {  	v13 =	vld [tilespmem:s28+$0xFFFFFFC0]  }
0x1b3: {  	v43 =	vadd.s32 v31, v15  }
0x1b4: {  	v14 =	vor.u32 $0x3, v43;
	_ =	sdelay $0x2  }
0x1b5: {  	v13 =	vadd.f32 v13, v7;
	_ =	sdelay $0x1  }
0x1b6: {  	[tilespmem:v14+s20+$0x0] =	vst.idx.msk $0xffff, v13  }
0x1b7: {  	v13 =	vld [tilespmem:s28+$0xFFFFFFD0]  }
0x1b8: {  	v44 =	vadd.s32 v32, v15  }
0x1b9: {  	v14 =	vor.u32 $0x3, v44;
	_ =	sdelay $0x2  }
0x1ba: {  	v13 =	vadd.f32 v13, v8;
	_ =	sdelay $0x1  }
0x1bb: {  	[tilespmem:v14+s20+$0x0] =	vst.idx.msk $0xffff, v13  }
0x1bc: {  	v13 =	vld [tilespmem:s28+$0xFFFFFFE0]  }
0x1bd: {  	v45 =	vadd.s32 v33, v15  }
0x1be: {  	v14 =	vor.u32 $0x3, v45;
	_ =	sdelay $0x2  }
0x1bf: {  	v13 =	vadd.f32 v13, v6;
	_ =	sdelay $0x1  }
0x1c0: {  	[tilespmem:v14+s20+$0x0] =	vst.idx.msk $0xffff, v13  }
0x1c1: {  	v13 =	vld [tilespmem:s28+$0xFFFFFFF0]  }
0x1c2: {  	v46 =	vadd.s32 v10, v15  }
0x1c3: {  	v14 =	vor.u32 $0x3, v46;
	_ =	sdelay $0x1  }
0x1c4: {  	v47 =	vmov s3  }
0x1c5: {  	v15 =	vshrl.u32 v47, $0x3;
	v13 =	vadd.f32 v13, v5  }
0x1c6: {  	v15 =	vshll.u32 v15, v1  }
0x1c7: {  	v15 =	vbroadcast v15, $0x0;
	[tilespmem:v14+s20+$0x0] =	vst.idx.msk $0xffff, v13  }
0x1c8: {  	v13 =	vld [tilespmem:s28+$0x0]  }
0x1c9: {  	v48 =	vadd.s32 v31, v15  }
0x1ca: {  	v14 =	vor.u32 $0x4, v48;
	_ =	sdelay $0x2  }
0x1cb: {  	v13 =	vadd.f32 v13, v7;
	_ =	sdelay $0x1  }
0x1cc: {  	[tilespmem:v14+s20+$0x0] =	vst.idx.msk $0xffff, v13  }
0x1cd: {  	v13 =	vld [tilespmem:s28+$0x10]  }
0x1ce: {  	v49 =	vadd.s32 v32, v15  }
0x1cf: {  	v14 =	vor.u32 $0x4, v49;
	_ =	sdelay $0x2  }
0x1d0: {  	v13 =	vadd.f32 v13, v8;
	_ =	sdelay $0x1  }
0x1d1: {  	[tilespmem:v14+s20+$0x0] =	vst.idx.msk $0xffff, v13  }
0x1d2: {  	v13 =	vld [tilespmem:s28+$0x20]  }
0x1d3: {  	v50 =	vadd.s32 v33, v15  }
0x1d4: {  	v14 =	vor.u32 $0x4, v50;
	_ =	sdelay $0x2  }
0x1d5: {  	v13 =	vadd.f32 v13, v6;
	_ =	sdelay $0x1  }
0x1d6: {  	[tilespmem:v14+s20+$0x0] =	vst.idx.msk $0xffff, v13  }
0x1d7: {  	v13 =	vld [tilespmem:s28+$0x30]  }
0x1d8: {  	v51 =	vadd.s32 v10, v15  }
0x1d9: {  	s9 =	sadd.s32 $0xFFFFFFFE, s29;
	v14 =	vor.u32 $0x4, v51  }
0x1da: {  	s3 =	sand.u32 $0x78, s9  }
0x1db: {  	v52 =	vmov s3  }
0x1dc: {  	v15 =	vshrl.u32 v52, $0x3;
	v13 =	vadd.f32 v13, v5  }
0x1dd: {  	v15 =	vshll.u32 v15, v1  }
0x1de: {  	v15 =	vbroadcast v15, $0x0;
	[tilespmem:v14+s20+$0x0] =	vst.idx.msk $0xffff, v13  }
0x1df: {  	v13 =	vld [tilespmem:s28+$0x40]  }
0x1e0: {  	v53 =	vadd.s32 v31, v15  }
0x1e1: {  	v14 =	vor.u32 $0x5, v53;
	_ =	sdelay $0x2  }
0x1e2: {  	v13 =	vadd.f32 v13, v7;
	_ =	sdelay $0x1  }
0x1e3: {  	[tilespmem:v14+s20+$0x0] =	vst.idx.msk $0xffff, v13  }
0x1e4: {  	v13 =	vld [tilespmem:s28+$0x50]  }
0x1e5: {  	v54 =	vadd.s32 v32, v15  }
0x1e6: {  	v14 =	vor.u32 $0x5, v54;
	_ =	sdelay $0x2  }
0x1e7: {  	v13 =	vadd.f32 v13, v8;
	_ =	sdelay $0x1  }
0x1e8: {  	[tilespmem:v14+s20+$0x0] =	vst.idx.msk $0xffff, v13  }
0x1e9: {  	v13 =	vld [tilespmem:s28+$0x60]  }
0x1ea: {  	v55 =	vadd.s32 v33, v15  }
0x1eb: {  	v14 =	vor.u32 $0x5, v55;
	_ =	sdelay $0x2  }
0x1ec: {  	v13 =	vadd.f32 v13, v6;
	_ =	sdelay $0x1  }
0x1ed: {  	[tilespmem:v14+s20+$0x0] =	vst.idx.msk $0xffff, v13  }
0x1ee: {  	v13 =	vld [tilespmem:s28+$0x70]  }
0x1ef: {  	v56 =	vadd.s32 v10, v15  }
0x1f0: {  	v14 =	vor.u32 $0x5, v56;
	_ =	sdelay $0x1  }
0x1f1: {  	v57 =	vmov s0  }
0x1f2: {  	v15 =	vshrl.u32 v57, $0x3;
	v13 =	vadd.f32 v13, v5  }
0x1f3: {  	v15 =	vshll.u32 v15, v1  }
0x1f4: {  	v15 =	vbroadcast v15, $0x0;
	[tilespmem:v14+s20+$0x0] =	vst.idx.msk $0xffff, v13  }
0x1f5: {  	v13 =	vld [tilespmem:s28+$0x80]  }
0x1f6: {  	v58 =	vadd.s32 v31, v15  }
0x1f7: {  	v14 =	vor.u32 $0x6, v58;
	_ =	sdelay $0x2  }
0x1f8: {  	v13 =	vadd.f32 v13, v7;
	_ =	sdelay $0x1  }
0x1f9: {  	[tilespmem:v14+s20+$0x0] =	vst.idx.msk $0xffff, v13  }
0x1fa: {  	v13 =	vld [tilespmem:s28+$0x90]  }
0x1fb: {  	v59 =	vadd.s32 v32, v15  }
0x1fc: {  	v14 =	vor.u32 $0x6, v59;
	_ =	sdelay $0x2  }
0x1fd: {  	v13 =	vadd.f32 v13, v8;
	_ =	sdelay $0x1  }
0x1fe: {  	[tilespmem:v14+s20+$0x0] =	vst.idx.msk $0xffff, v13  }
0x1ff: {  	v13 =	vld [tilespmem:s28+$0xA0]  }
0x200: {  	v60 =	vadd.s32 v33, v15  }
0x201: {  	v14 =	vor.u32 $0x6, v60;
	_ =	sdelay $0x2  }
0x202: {  	v13 =	vadd.f32 v13, v6;
	_ =	sdelay $0x1  }
0x203: {  	[tilespmem:v14+s20+$0x0] =	vst.idx.msk $0xffff, v13  }
0x204: {  	v13 =	vld [tilespmem:s28+$0xB0]  }
0x205: {  	v61 =	vadd.s32 v10, v15  }
0x206: {  	v14 =	vor.u32 $0x6, v61  }
0x207: {  	s11 =	sand.u32 $0x78, s29  }
0x208: {  	v62 =	vmov s11  }
0x209: {  	v15 =	vshrl.u32 v62, $0x3;
	v13 =	vadd.f32 v13, v5  }
0x20a: {  	v15 =	vshll.u32 v15, v1  }
0x20b: {  	v15 =	vbroadcast v15, $0x0;
	[tilespmem:v14+s20+$0x0] =	vst.idx.msk $0xffff, v13  }
0x20c: {  	v13 =	vld [tilespmem:s28+$0xC0]  }
0x20d: {  	v12 =	vadd.s32 v31, v15  }
0x20e: {  	v12 =	vor.u32 $0x7, v12;
	_ =	sdelay $0x2  }
0x20f: {  	v7 =	vadd.f32 v13, v7;
	_ =	sdelay $0x1  }
0x210: {  	[tilespmem:v12+s20+$0x0] =	vst.idx.msk $0xffff, v7  }
0x211: {  	v7 =	vld [tilespmem:s28+$0xD0]  }
0x212: {  	v11 =	vadd.s32 v32, v15  }
0x213: {  	v11 =	vor.u32 $0x7, v11;
	_ =	sdelay $0x2  }
0x214: {  	v7 =	vadd.f32 v7, v8;
	_ =	sdelay $0x1  }
0x215: {  	[tilespmem:v11+s20+$0x0] =	vst.idx.msk $0xffff, v7  }
0x216: {  	v7 =	vld [tilespmem:s28+$0xE0]  }
0x217: {  	v63 =	vadd.s32 v33, v15  }
0x218: {  	v8 =	vor.u32 $0x7, v63;
	_ =	sdelay $0x2  }
0x219: {  	v6 =	vadd.f32 v7, v6;
	_ =	sdelay $0x1  }
0x21a: {  	[tilespmem:v8+s20+$0x0] =	vst.idx.msk $0xffff, v6  }
0x21b: {  	v6 =	vld [tilespmem:s28+$0xF0]  }
0x21c: {  	v7 =	vadd.s32 v10, v15  }
0x21d: {  	v7 =	vor.u32 $0x7, v7;
	_ =	sdelay $0x1  }
0x21e: {  	s30 =	sshll.u32 s25, $0x14  }
0x21f: {  	s0 =	sor.u32 s6, s30;
	v5 =	vadd.f32 v6, v5  }
0x220: {  	s28 =	sshrl.u32 s0, $0x3  }
0x221: {  	s3 =	simm.s32 $0xD000;
	s11 =	sadd.s32 s1, s28;
	[tilespmem:v7+s20+$0x0] =	vst.idx.msk $0xffff, v5  }
0x222: {  	[hbm4b:s11+s2] =	stream.linear.scatter [tilespmem:s3], [sflag:$0x3], $0x80, $0x38;
	[tilespmem:$0x16200] =	vst v63  }
0x223: {  	s9 =	simm.s32 $0xD088;
	s30 =	sadd.s32 $0x10, s11  }
0x224: {  	[hbm4b:s30+s2] =	stream.linear.scatter [tilespmem:s9], [sflag:$0x3], $0x80, $0x38;
	[tilespmem:$0x16200] =	vst v63  }
0x225: {  	s9 =	simm.s32 $0xD110;
	s30 =	sadd.s32 $0x20, s11  }
0x226: {  	[hbm4b:s30+s2] =	stream.linear.scatter [tilespmem:s9], [sflag:$0x3], $0x80, $0x38;
	[tilespmem:$0x16200] =	vst v63  }
0x227: {  	s9 =	simm.s32 $0xD198;
	s30 =	sadd.s32 $0x30, s11  }
0x228: {  	[hbm4b:s30+s2] =	stream.linear.scatter [tilespmem:s9], [sflag:$0x3], $0x80, $0x38;
	[tilespmem:$0x16200] =	vst v63  }
0x229: {  	s9 =	simm.s32 $0xD220;
	s30 =	sadd.s32 $0x40, s11  }
0x22a: {  	[hbm4b:s30+s2] =	stream.linear.scatter [tilespmem:s9], [sflag:$0x3], $0x80, $0x38;
	[tilespmem:$0x16200] =	vst v63  }
0x22b: {  	s9 =	simm.s32 $0xD2A8;
	s30 =	sadd.s32 $0x50, s11  }
0x22c: {  	[hbm4b:s30+s2] =	stream.linear.scatter [tilespmem:s9], [sflag:$0x3], $0x80, $0x38;
	[tilespmem:$0x16200] =	vst v63  }
0x22d: {  	s9 =	simm.s32 $0xD330;
	s30 =	sadd.s32 $0x60, s11  }
0x22e: {  	[hbm4b:s30+s2] =	stream.linear.scatter [tilespmem:s9], [sflag:$0x3], $0x80, $0x38;
	[tilespmem:$0x16200] =	vst v63  }
0x22f: {  	s9 =	simm.s32 $0xD3B8;
	s30 =	sadd.s32 $0x70, s11  }
0x230: {  	[hbm4b:s30+s2] =	stream.linear.scatter [tilespmem:s9], [sflag:$0x3], $0x80, $0x38;
	[tilespmem:$0x16200] =	vst v63  }
0x231: {  	s9 =	simm.s32 $0xD440;
	s30 =	sadd.s32 $0x80, s11  }
0x232: {  	[hbm4b:s30+s2] =	stream.linear.scatter [tilespmem:s9], [sflag:$0x3], $0x80, $0x38;
	[tilespmem:$0x16200] =	vst v63  }
0x233: {  	s9 =	simm.s32 $0xD4C8;
	s30 =	sadd.s32 $0x90, s11  }
0x234: {  	[hbm4b:s30+s2] =	stream.linear.scatter [tilespmem:s9], [sflag:$0x3], $0x80, $0x38;
	[tilespmem:$0x16200] =	vst v63  }
0x235: {  	s9 =	simm.s32 $0xD550;
	s30 =	sadd.s32 $0xA0, s11  }
0x236: {  	[hbm4b:s30+s2] =	stream.linear.scatter [tilespmem:s9], [sflag:$0x3], $0x80, $0x38;
	[tilespmem:$0x16200] =	vst v63  }
0x237: {  	s9 =	simm.s32 $0xD5D8;
	s30 =	sadd.s32 $0xB0, s11  }
0x238: {  	[hbm4b:s30+s2] =	stream.linear.scatter [tilespmem:s9], [sflag:$0x3], $0x80, $0x38;
	[tilespmem:$0x16200] =	vst v63  }
0x239: {  	s9 =	simm.s32 $0xD660;
	s30 =	sadd.s32 $0xC0, s11  }
0x23a: {  	[hbm4b:s30+s2] =	stream.linear.scatter [tilespmem:s9], [sflag:$0x3], $0x80, $0x38;
	[tilespmem:$0x16200] =	vst v63  }
0x23b: {  	s31 =	simm.s32 $0x4400;
	s9 =	simm.s32 $0xD6E8;
	s30 =	sadd.s32 $0xD0, s11  }
0x23c: {  	[hbm4b:s30+s2] =	stream.linear.scatter [tilespmem:s9], [sflag:$0x3], $0x80, $0x38;
	[tilespmem:$0x16200] =	vst v63  }
0x23d: {  	s0 =	simm.s32 $0x880;
	s9 =	simm.s32 $0xD770;
	s30 =	sadd.s32 $0xE0, s11  }
0x23e: {  	[hbm4b:s30+s2] =	stream.linear.scatter [tilespmem:s9], [sflag:$0x3], $0x80, $0x38;
	[tilespmem:$0x16200] =	vst v63  }
0x23f: {  	s29 =	sadd.s32 $0x4000, s11;
	s3 =	simm.s32 $0xD7F8;
	s9 =	sadd.s32 $0xF0, s11  }
.LBB2_5:
0x240: {  	[hbm4b:s9+s2] =	stream.linear.scatter [tilespmem:s3], [sflag:$0x3], $0x80, $0x38;
	[tilespmem:$0x16200] =	vst v63  }
0x241: {  	s3 =	smov.u32 s0;
	s0 =	smov.u32 s31  }
0x242: {  	s30 =	sadd.s32 $0x2200, s31;
	s0 =	sshra.s32 s0, $0x2;
	s9 =	sadd.s32 $0xD000, s3  }
0x243: {  	[hbm4b:s29+s2] =	stream.linear.scatter [tilespmem:s9], [sflag:$0x3], $0x80, $0x38;
	[tilespmem:$0x16200] =	vst v63  }
0x244: {  	p0 =	sne.s32 s31, $0xEE00;
	s11 =	sadd.s32 $0x10, s29;
	s9 =	sadd.s32 $0xD088, s3  }
0x245: {  	[hbm4b:s11+s2] =	stream.linear.scatter [tilespmem:s9], [sflag:$0x3], $0x80, $0x38;
	[tilespmem:$0x16200] =	vst v63  }
0x246: {  	s9 =	sadd.s32 $0xD110, s3;
	s11 =	sadd.s32 $0x20, s29  }
0x247: {  	[hbm4b:s11+s2] =	stream.linear.scatter [tilespmem:s9], [sflag:$0x3], $0x80, $0x38;
	[tilespmem:$0x16200] =	vst v63  }
0x248: {  	s9 =	sadd.s32 $0xD198, s3;
	s11 =	sadd.s32 $0x30, s29  }
0x249: {  	[hbm4b:s11+s2] =	stream.linear.scatter [tilespmem:s9], [sflag:$0x3], $0x80, $0x38;
	[tilespmem:$0x16200] =	vst v63  }
0x24a: {  	s9 =	sadd.s32 $0xD220, s3;
	s11 =	sadd.s32 $0x40, s29  }
0x24b: {  	[hbm4b:s11+s2] =	stream.linear.scatter [tilespmem:s9], [sflag:$0x3], $0x80, $0x38;
	[tilespmem:$0x16200] =	vst v63  }
0x24c: {  	s9 =	sadd.s32 $0xD2A8, s3;
	s11 =	sadd.s32 $0x50, s29  }
0x24d: {  	[hbm4b:s11+s2] =	stream.linear.scatter [tilespmem:s9], [sflag:$0x3], $0x80, $0x38;
	[tilespmem:$0x16200] =	vst v63  }
0x24e: {  	s9 =	sadd.s32 $0xD330, s3;
	s11 =	sadd.s32 $0x60, s29  }
0x24f: {  	[hbm4b:s11+s2] =	stream.linear.scatter [tilespmem:s9], [sflag:$0x3], $0x80, $0x38;
	[tilespmem:$0x16200] =	vst v63  }
0x250: {  	s9 =	sadd.s32 $0xD3B8, s3;
	s11 =	sadd.s32 $0x70, s29  }
0x251: {  	[hbm4b:s11+s2] =	stream.linear.scatter [tilespmem:s9], [sflag:$0x3], $0x80, $0x38;
	[tilespmem:$0x16200] =	vst v63  }
0x252: {  	s9 =	sadd.s32 $0xD440, s3;
	s11 =	sadd.s32 $0x80, s29  }
0x253: {  	[hbm4b:s11+s2] =	stream.linear.scatter [tilespmem:s9], [sflag:$0x3], $0x80, $0x38;
	[tilespmem:$0x16200] =	vst v63  }
0x254: {  	s9 =	sadd.s32 $0xD4C8, s3;
	s11 =	sadd.s32 $0x90, s29  }
0x255: {  	[hbm4b:s11+s2] =	stream.linear.scatter [tilespmem:s9], [sflag:$0x3], $0x80, $0x38;
	[tilespmem:$0x16200] =	vst v63  }
0x256: {  	s9 =	sadd.s32 $0xD550, s3;
	s11 =	sadd.s32 $0xA0, s29  }
0x257: {  	[hbm4b:s11+s2] =	stream.linear.scatter [tilespmem:s9], [sflag:$0x3], $0x80, $0x38;
	[tilespmem:$0x16200] =	vst v63  }
0x258: {  	s9 =	sadd.s32 $0xD5D8, s3;
	s11 =	sadd.s32 $0xB0, s29  }
0x259: {  	[hbm4b:s11+s2] =	stream.linear.scatter [tilespmem:s9], [sflag:$0x3], $0x80, $0x38;
	[tilespmem:$0x16200] =	vst v63  }
0x25a: {  	s9 =	sadd.s32 $0xD660, s3;
	s11 =	sadd.s32 $0xC0, s29  }
0x25b: {  	[hbm4b:s11+s2] =	stream.linear.scatter [tilespmem:s9], [sflag:$0x3], $0x80, $0x38;
	[tilespmem:$0x16200] =	vst v63  }
.Ltmp1:
0x25c: {  	s9 =	sadd.s32 $0xD6E8, s3;
	s11 =	sadd.s32 $0xD0, s29;
	(pc) =	sbr.rel @p0 .LBB2_5-.Ltmp1, $4  }
0x25d: {  	[hbm4b:s11+s2] =	stream.linear.scatter [tilespmem:s9], [sflag:$0x3], $0x80, $0x38;
	[tilespmem:$0x16200] =	vst v63  }
0x25e: {  	s31 =	smov.u32 s30;
	s9 =	sadd.s32 $0xD770, s3;
	s11 =	sadd.s32 $0xE0, s29  }
0x25f: {  	[hbm4b:s11+s2] =	stream.linear.scatter [tilespmem:s9], [sflag:$0x3], $0x80, $0x38;
	[tilespmem:$0x16200] =	vst v63  }
0x260: {  	s3 =	sadd.s32 $0xD7F8, s3;
	s9 =	sadd.s32 $0xF0, s29;
	s29 =	sadd.s32 $0x4000, s29  }
0x261: {  	[hbm4b:s9+s2] =	stream.linear.scatter [tilespmem:s3], [sflag:$0x3], $0x80, $0x38;
	[tilespmem:$0x16200] =	vst v63  }
0x262: {  	s11 =	sadd.s32 $0xD000, s0  }
0x263: {  	[hbm4b:s29+s2] =	stream.linear.scatter [tilespmem:s11], [sflag:$0x3], $0x80, $0x38;
	[tilespmem:$0x16200] =	vst v63  }
0x264: {  	s9 =	sadd.s32 $0xD088, s0;
	s11 =	sadd.s32 $0x10, s29  }
0x265: {  	[hbm4b:s11+s2] =	stream.linear.scatter [tilespmem:s9], [sflag:$0x3], $0x80, $0x38;
	[tilespmem:$0x16200] =	vst v63  }
0x266: {  	s9 =	sadd.s32 $0xD110, s0;
	s11 =	sadd.s32 $0x20, s29  }
0x267: {  	[hbm4b:s11+s2] =	stream.linear.scatter [tilespmem:s9], [sflag:$0x3], $0x80, $0x38;
	[tilespmem:$0x16200] =	vst v63  }
0x268: {  	s9 =	sadd.s32 $0xD198, s0;
	s11 =	sadd.s32 $0x30, s29  }
0x269: {  	[hbm4b:s11+s2] =	stream.linear.scatter [tilespmem:s9], [sflag:$0x3], $0x80, $0x38;
	[tilespmem:$0x16200] =	vst v63  }
0x26a: {  	s9 =	sadd.s32 $0xD220, s0;
	s11 =	sadd.s32 $0x40, s29  }
0x26b: {  	[hbm4b:s11+s2] =	stream.linear.scatter [tilespmem:s9], [sflag:$0x3], $0x80, $0x38;
	[tilespmem:$0x16200] =	vst v63  }
0x26c: {  	s9 =	sadd.s32 $0xD2A8, s0;
	s11 =	sadd.s32 $0x50, s29  }
0x26d: {  	[hbm4b:s11+s2] =	stream.linear.scatter [tilespmem:s9], [sflag:$0x3], $0x80, $0x38;
	[tilespmem:$0x16200] =	vst v63  }
0x26e: {  	s9 =	sadd.s32 $0xD330, s0;
	s11 =	sadd.s32 $0x60, s29  }
0x26f: {  	[hbm4b:s11+s2] =	stream.linear.scatter [tilespmem:s9], [sflag:$0x3], $0x80, $0x38;
	[tilespmem:$0x16200] =	vst v63  }
0x270: {  	s9 =	sadd.s32 $0xD3B8, s0;
	s11 =	sadd.s32 $0x70, s29  }
0x271: {  	[hbm4b:s11+s2] =	stream.linear.scatter [tilespmem:s9], [sflag:$0x3], $0x80, $0x38;
	[tilespmem:$0x16200] =	vst v63  }
0x272: {  	s9 =	sadd.s32 $0xD440, s0;
	s11 =	sadd.s32 $0x80, s29  }
0x273: {  	[hbm4b:s11+s2] =	stream.linear.scatter [tilespmem:s9], [sflag:$0x3], $0x80, $0x38;
	[tilespmem:$0x16200] =	vst v63  }
0x274: {  	s9 =	sadd.s32 $0xD4C8, s0;
	s11 =	sadd.s32 $0x90, s29  }
0x275: {  	[hbm4b:s11+s2] =	stream.linear.scatter [tilespmem:s9], [sflag:$0x3], $0x80, $0x38;
	[tilespmem:$0x16200] =	vst v63  }
0x276: {  	s9 =	sadd.s32 $0xD550, s0;
	s11 =	sadd.s32 $0xA0, s29  }
0x277: {  	[hbm4b:s11+s2] =	stream.linear.scatter [tilespmem:s9], [sflag:$0x3], $0x80, $0x38;
	[tilespmem:$0x16200] =	vst v63  }
0x278: {  	s9 =	sadd.s32 $0xD5D8, s0;
	s11 =	sadd.s32 $0xB0, s29  }
0x279: {  	[hbm4b:s11+s2] =	stream.linear.scatter [tilespmem:s9], [sflag:$0x3], $0x80, $0x38;
	[tilespmem:$0x16200] =	vst v63  }
0x27a: {  	s9 =	sadd.s32 $0xD660, s0;
	s11 =	sadd.s32 $0xC0, s29  }
0x27b: {  	[hbm4b:s11+s2] =	stream.linear.scatter [tilespmem:s9], [sflag:$0x3], $0x80, $0x38;
	[tilespmem:$0x16200] =	vst v63  }
0x27c: {  	s9 =	sadd.s32 $0xD6E8, s0;
	s11 =	sadd.s32 $0xD0, s29  }
0x27d: {  	[hbm4b:s11+s2] =	stream.linear.scatter [tilespmem:s9], [sflag:$0x3], $0x80, $0x38;
	[tilespmem:$0x16200] =	vst v63  }
0x27e: {  	p0 =	seq.s32 s25, $0x27;
	s9 =	sadd.s32 $0xD770, s0;
	s11 =	sadd.s32 $0xE0, s29  }
0x27f: {  	[hbm4b:s11+s2] =	stream.linear.scatter [tilespmem:s9], [sflag:$0x3], $0x80, $0x38;
	[tilespmem:$0x16200] =	vst v63  }
0x280: {  	s3 =	sadd.s32 $0xD7F8, s0;
	s0 =	sadd.s32 @!p0 $0x1, s25;
	s9 =	sadd.s32 $0xF0, s29  }
0x281: {  	[hbm4b:s9+s2] =	stream.linear.scatter [tilespmem:s3], [sflag:$0x3], $0x80, $0x38;
	[tilespmem:$0x16200] =	vst v63  }
0x282: {  	s3 =	sshll.u32 @!p0 s0, $0x9;
	s0 =	sshll.u32 @!p0 s0, $0x7  }
0x283: {  	s3 =	sand.u32 @!p0 $0xF000, s3;
	s0 =	sand.u32 @!p0 $0x380, s0  }
0x284: {  	s9 =	simm.s32 @!p0 $0x5000;
	s0 =	sor.u32 @!p0 s0, s3;
	s3 =	simm.s32 @!p0 $0x80  }
0x285: {  	[tilespmem:s9], [sflag:$0x1] =	stream.indirect.gather @!p0 [hbm4b:s4+s3], $0x40, s0, s3, $0xb8;
	[tilespmem:$0x16200] =	vst v63  }
0x286: {  	s0 =	sor.u32 @!p0 $0x400, s0;
	s9 =	simm.s32 @!p0 $0x7000  }
0x287: {  	[tilespmem:s9], [sflag:$0x1] =	stream.indirect.gather @!p0 [hbm4b:s4+s3], $0x40, s0, s3, $0xb8;
	[tilespmem:$0x16200] =	vst v63  }
0x288: {  	_ =	swait.ge [sflag:s21], $0x4000  }
0x289: {  	[sflag:s21] =	ssyncset.done $0x0  }
0x28a: {  	s11 =	simm.s32 $0x0;
	s9 =	simm.s32 $0x0;
	[sflag:s21] =	ssyncadd.s32 $0xFFFFC000  }
0x28b: {  	s0 =	sand.u32 $0x78, s11;
	v5 =	vmov s9;
	_ =	swait.ge [sflag:s22], $0x4000  }
0x28c: {  	v6 =	vmov s0;
	v5 =	vmul.u32 $0x440, v5;
	[sflag:s22] =	ssyncset.done $0x0  }
0x28d: {  	v6 =	vshrl.u32 v6, $0x3;
	[sflag:s22] =	ssyncadd.s32 $0xFFFFC000  }
0x28e: {  	s29 =	simm.s32 $0x9100;
	v10 =	vbroadcast v5, $0x0;
	v5 =	vshll.u32 v6, v1;
	v7 =	vld [tilespmem:s26+$0x15800]  }
0x28f: {  	v13 =	vbroadcast v5, $0x0;
	v5 =	vld [tilespmem:s29+$0xFFFFFF00]  }
0x290: {  	v9 =	vadd.s32 v0, v10  }
0x291: {  	v11 =	vadd.s32 v9, v13;
	_ =	sdelay $0x2  }
0x292: {  	v8 =	vld [tilespmem:s26+$0x15810];
	v12 =	vadd.f32 v5, v7  }
0x293: {  	v6 =	vld [tilespmem:s26+$0x15820]  }
0x294: {  	v5 =	vld [tilespmem:s26+$0x15830];
	[tilespmem:v11+s23+$0x0] =	vst.idx.msk $0xffff, v12  }
0x295: {  	v11 =	vld [tilespmem:s29+$0xFFFFFF10]  }
0x296: {  	v12 =	vadd.s32 v2, v10  }
0x297: {  	v14 =	vadd.s32 v12, v13;
	_ =	sdelay $0x2  }
0x298: {  	v11 =	vadd.f32 v11, v8;
	_ =	sdelay $0x1  }
0x299: {  	[tilespmem:v14+s23+$0x0] =	vst.idx.msk $0xffff, v11  }
0x29a: {  	v14 =	vld [tilespmem:s29+$0xFFFFFF20]  }
0x29b: {  	v11 =	vadd.s32 v3, v10  }
0x29c: {  	v15 =	vadd.s32 v11, v13;
	_ =	sdelay $0x2  }
0x29d: {  	v14 =	vadd.f32 v14, v6;
	_ =	sdelay $0x1  }
0x29e: {  	[tilespmem:v15+s23+$0x0] =	vst.idx.msk $0xffff, v14  }
0x29f: {  	v14 =	vld [tilespmem:s29+$0xFFFFFF30]  }
0x2a0: {  	v10 =	vadd.s32 v4, v10  }
0x2a1: {  	s11 =	simm.s32 $0x1;
	v13 =	vadd.s32 v10, v13  }
0x2a2: {  	s0 =	sand.u32 $0x78, s11  }
0x2a3: {  	v15 =	vmov s0  }
0x2a4: {  	v15 =	vshrl.u32 v15, $0x3;
	v14 =	vadd.f32 v14, v5  }
0x2a5: {  	v15 =	vshll.u32 v15, v1  }
0x2a6: {  	v15 =	vbroadcast v15, $0x0;
	[tilespmem:v13+s23+$0x0] =	vst.idx.msk $0xffff, v14  }
0x2a7: {  	v13 =	vld [tilespmem:s29+$0xFFFFFF40]  }
0x2a8: {  	v14 =	vadd.s32 v9, v15  }
0x2a9: {  	v14 =	vor.u32 $0x1, v14;
	_ =	sdelay $0x2  }
0x2aa: {  	v13 =	vadd.f32 v13, v7;
	_ =	sdelay $0x1  }
0x2ab: {  	[tilespmem:v14+s23+$0x0] =	vst.idx.msk $0xffff, v13  }
0x2ac: {  	v13 =	vld [tilespmem:s29+$0xFFFFFF50]  }
0x2ad: {  	v14 =	vadd.s32 v12, v15  }
0x2ae: {  	v14 =	vor.u32 $0x1, v14;
	_ =	sdelay $0x2  }
0x2af: {  	v13 =	vadd.f32 v13, v8;
	_ =	sdelay $0x1  }
0x2b0: {  	[tilespmem:v14+s23+$0x0] =	vst.idx.msk $0xffff, v13  }
0x2b1: {  	v13 =	vld [tilespmem:s29+$0xFFFFFF60]  }
0x2b2: {  	v14 =	vadd.s32 v11, v15  }
0x2b3: {  	v14 =	vor.u32 $0x1, v14;
	_ =	sdelay $0x2  }
0x2b4: {  	v13 =	vadd.f32 v13, v6;
	_ =	sdelay $0x1  }
0x2b5: {  	[tilespmem:v14+s23+$0x0] =	vst.idx.msk $0xffff, v13  }
0x2b6: {  	v13 =	vld [tilespmem:s29+$0xFFFFFF70]  }
0x2b7: {  	v14 =	vadd.s32 v10, v15  }
0x2b8: {  	s26 =	simm.s32 $0x2;
	v14 =	vor.u32 $0x1, v14  }
0x2b9: {  	s0 =	sand.u32 $0x78, s26  }
0x2ba: {  	v15 =	vmov s0  }
0x2bb: {  	v15 =	vshrl.u32 v15, $0x3;
	v13 =	vadd.f32 v13, v5  }
0x2bc: {  	v15 =	vshll.u32 v15, v1  }
0x2bd: {  	v15 =	vbroadcast v15, $0x0;
	[tilespmem:v14+s23+$0x0] =	vst.idx.msk $0xffff, v13  }
0x2be: {  	v13 =	vld [tilespmem:s29+$0xFFFFFF80]  }
0x2bf: {  	v14 =	vadd.s32 v9, v15  }
0x2c0: {  	v14 =	vor.u32 $0x2, v14;
	_ =	sdelay $0x2  }
0x2c1: {  	v13 =	vadd.f32 v13, v7;
	_ =	sdelay $0x1  }
0x2c2: {  	[tilespmem:v14+s23+$0x0] =	vst.idx.msk $0xffff, v13  }
0x2c3: {  	v13 =	vld [tilespmem:s29+$0xFFFFFF90]  }
0x2c4: {  	v14 =	vadd.s32 v12, v15  }
0x2c5: {  	v14 =	vor.u32 $0x2, v14;
	_ =	sdelay $0x2  }
0x2c6: {  	v13 =	vadd.f32 v13, v8;
	_ =	sdelay $0x1  }
0x2c7: {  	[tilespmem:v14+s23+$0x0] =	vst.idx.msk $0xffff, v13  }
0x2c8: {  	v13 =	vld [tilespmem:s29+$0xFFFFFFA0]  }
0x2c9: {  	v14 =	vadd.s32 v11, v15  }
0x2ca: {  	v14 =	vor.u32 $0x2, v14;
	_ =	sdelay $0x2  }
0x2cb: {  	v13 =	vadd.f32 v13, v6;
	_ =	sdelay $0x1  }
0x2cc: {  	[tilespmem:v14+s23+$0x0] =	vst.idx.msk $0xffff, v13  }
0x2cd: {  	v13 =	vld [tilespmem:s29+$0xFFFFFFB0]  }
0x2ce: {  	v14 =	vadd.s32 v10, v15  }
0x2cf: {  	s3 =	simm.s32 $0x3;
	v14 =	vor.u32 $0x2, v14  }
0x2d0: {  	s0 =	sand.u32 $0x78, s3  }
0x2d1: {  	v15 =	vmov s0  }
0x2d2: {  	v15 =	vshrl.u32 v15, $0x3;
	v13 =	vadd.f32 v13, v5  }
0x2d3: {  	v15 =	vshll.u32 v15, v1  }
0x2d4: {  	v15 =	vbroadcast v15, $0x0;
	[tilespmem:v14+s23+$0x0] =	vst.idx.msk $0xffff, v13  }
0x2d5: {  	v13 =	vld [tilespmem:s29+$0xFFFFFFC0]  }
0x2d6: {  	v14 =	vadd.s32 v9, v15  }
0x2d7: {  	v14 =	vor.u32 $0x3, v14;
	_ =	sdelay $0x2  }
0x2d8: {  	v13 =	vadd.f32 v13, v7;
	_ =	sdelay $0x1  }
0x2d9: {  	[tilespmem:v14+s23+$0x0] =	vst.idx.msk $0xffff, v13  }
0x2da: {  	v13 =	vld [tilespmem:s29+$0xFFFFFFD0]  }
0x2db: {  	v14 =	vadd.s32 v12, v15  }
0x2dc: {  	v14 =	vor.u32 $0x3, v14;
	_ =	sdelay $0x2  }
0x2dd: {  	v13 =	vadd.f32 v13, v8;
	_ =	sdelay $0x1  }
0x2de: {  	[tilespmem:v14+s23+$0x0] =	vst.idx.msk $0xffff, v13  }
0x2df: {  	v13 =	vld [tilespmem:s29+$0xFFFFFFE0]  }
0x2e0: {  	v14 =	vadd.s32 v11, v15  }
0x2e1: {  	v14 =	vor.u32 $0x3, v14;
	_ =	sdelay $0x2  }
0x2e2: {  	v13 =	vadd.f32 v13, v6;
	_ =	sdelay $0x1  }
0x2e3: {  	[tilespmem:v14+s23+$0x0] =	vst.idx.msk $0xffff, v13  }
0x2e4: {  	v13 =	vld [tilespmem:s29+$0xFFFFFFF0]  }
0x2e5: {  	v14 =	vadd.s32 v10, v15  }
0x2e6: {  	s9 =	simm.s32 $0x4;
	v14 =	vor.u32 $0x3, v14  }
0x2e7: {  	s0 =	sand.u32 $0x78, s9  }
0x2e8: {  	v15 =	vmov s0  }
0x2e9: {  	v15 =	vshrl.u32 v15, $0x3;
	v13 =	vadd.f32 v13, v5  }
0x2ea: {  	v15 =	vshll.u32 v15, v1  }
0x2eb: {  	v15 =	vbroadcast v15, $0x0;
	[tilespmem:v14+s23+$0x0] =	vst.idx.msk $0xffff, v13  }
0x2ec: {  	v13 =	vld [tilespmem:s29+$0x0]  }
0x2ed: {  	v14 =	vadd.s32 v9, v15  }
0x2ee: {  	v14 =	vor.u32 $0x4, v14;
	_ =	sdelay $0x2  }
0x2ef: {  	v13 =	vadd.f32 v13, v7;
	_ =	sdelay $0x1  }
0x2f0: {  	[tilespmem:v14+s23+$0x0] =	vst.idx.msk $0xffff, v13  }
0x2f1: {  	v13 =	vld [tilespmem:s29+$0x10]  }
0x2f2: {  	v14 =	vadd.s32 v12, v15  }
0x2f3: {  	v14 =	vor.u32 $0x4, v14;
	_ =	sdelay $0x2  }
0x2f4: {  	v13 =	vadd.f32 v13, v8;
	_ =	sdelay $0x1  }
0x2f5: {  	[tilespmem:v14+s23+$0x0] =	vst.idx.msk $0xffff, v13  }
0x2f6: {  	v13 =	vld [tilespmem:s29+$0x20]  }
0x2f7: {  	v14 =	vadd.s32 v11, v15  }
0x2f8: {  	v14 =	vor.u32 $0x4, v14;
	_ =	sdelay $0x2  }
0x2f9: {  	v13 =	vadd.f32 v13, v6;
	_ =	sdelay $0x1  }
0x2fa: {  	[tilespmem:v14+s23+$0x0] =	vst.idx.msk $0xffff, v13  }
0x2fb: {  	v13 =	vld [tilespmem:s29+$0x30]  }
0x2fc: {  	v14 =	vadd.s32 v10, v15  }
0x2fd: {  	s11 =	simm.s32 $0x5;
	v14 =	vor.u32 $0x4, v14  }
0x2fe: {  	s0 =	sand.u32 $0x78, s11  }
0x2ff: {  	v15 =	vmov s0  }
0x300: {  	v15 =	vshrl.u32 v15, $0x3;
	v13 =	vadd.f32 v13, v5  }
0x301: {  	v15 =	vshll.u32 v15, v1  }
0x302: {  	v15 =	vbroadcast v15, $0x0;
	[tilespmem:v14+s23+$0x0] =	vst.idx.msk $0xffff, v13  }
0x303: {  	v13 =	vld [tilespmem:s29+$0x40]  }
0x304: {  	v14 =	vadd.s32 v9, v15  }
0x305: {  	v14 =	vor.u32 $0x5, v14;
	_ =	sdelay $0x2  }
0x306: {  	v13 =	vadd.f32 v13, v7;
	_ =	sdelay $0x1  }
0x307: {  	[tilespmem:v14+s23+$0x0] =	vst.idx.msk $0xffff, v13  }
0x308: {  	v13 =	vld [tilespmem:s29+$0x50]  }
0x309: {  	v14 =	vadd.s32 v12, v15  }
0x30a: {  	v14 =	vor.u32 $0x5, v14;
	_ =	sdelay $0x2  }
0x30b: {  	v13 =	vadd.f32 v13, v8;
	_ =	sdelay $0x1  }
0x30c: {  	[tilespmem:v14+s23+$0x0] =	vst.idx.msk $0xffff, v13  }
0x30d: {  	v13 =	vld [tilespmem:s29+$0x60]  }
0x30e: {  	v14 =	vadd.s32 v11, v15  }
0x30f: {  	v14 =	vor.u32 $0x5, v14;
	_ =	sdelay $0x2  }
0x310: {  	v13 =	vadd.f32 v13, v6;
	_ =	sdelay $0x1  }
0x311: {  	[tilespmem:v14+s23+$0x0] =	vst.idx.msk $0xffff, v13  }
0x312: {  	v13 =	vld [tilespmem:s29+$0x70]  }
0x313: {  	v14 =	vadd.s32 v10, v15  }
0x314: {  	s26 =	simm.s32 $0x6;
	v14 =	vor.u32 $0x5, v14  }
0x315: {  	s0 =	sand.u32 $0x78, s26  }
0x316: {  	v15 =	vmov s0  }
0x317: {  	v15 =	vshrl.u32 v15, $0x3;
	v13 =	vadd.f32 v13, v5  }
0x318: {  	v15 =	vshll.u32 v15, v1  }
0x319: {  	v15 =	vbroadcast v15, $0x0;
	[tilespmem:v14+s23+$0x0] =	vst.idx.msk $0xffff, v13  }
0x31a: {  	v13 =	vld [tilespmem:s29+$0x80]  }
0x31b: {  	v14 =	vadd.s32 v9, v15  }
0x31c: {  	v14 =	vor.u32 $0x6, v14;
	_ =	sdelay $0x2  }
0x31d: {  	v13 =	vadd.f32 v13, v7;
	_ =	sdelay $0x1  }
0x31e: {  	[tilespmem:v14+s23+$0x0] =	vst.idx.msk $0xffff, v13  }
0x31f: {  	v13 =	vld [tilespmem:s29+$0x90]  }
0x320: {  	v14 =	vadd.s32 v12, v15  }
0x321: {  	v14 =	vor.u32 $0x6, v14;
	_ =	sdelay $0x2  }
0x322: {  	v13 =	vadd.f32 v13, v8;
	_ =	sdelay $0x1  }
0x323: {  	[tilespmem:v14+s23+$0x0] =	vst.idx.msk $0xffff, v13  }
0x324: {  	v13 =	vld [tilespmem:s29+$0xA0]  }
0x325: {  	v14 =	vadd.s32 v11, v15  }
0x326: {  	v14 =	vor.u32 $0x6, v14;
	_ =	sdelay $0x2  }
0x327: {  	v13 =	vadd.f32 v13, v6;
	_ =	sdelay $0x1  }
0x328: {  	[tilespmem:v14+s23+$0x0] =	vst.idx.msk $0xffff, v13  }
0x329: {  	v13 =	vld [tilespmem:s29+$0xB0]  }
0x32a: {  	v14 =	vadd.s32 v10, v15  }
0x32b: {  	s3 =	simm.s32 $0x7;
	v14 =	vor.u32 $0x6, v14  }
0x32c: {  	s0 =	sand.u32 $0x78, s3  }
0x32d: {  	v15 =	vmov s0  }
0x32e: {  	v15 =	vshrl.u32 v15, $0x3;
	v13 =	vadd.f32 v13, v5  }
0x32f: {  	v15 =	vshll.u32 v15, v1  }
0x330: {  	v15 =	vbroadcast v15, $0x0;
	[tilespmem:v14+s23+$0x0] =	vst.idx.msk $0xffff, v13  }
0x331: {  	v13 =	vld [tilespmem:s29+$0xC0]  }
0x332: {  	v9 =	vadd.s32 v9, v15  }
0x333: {  	v9 =	vor.u32 $0x7, v9;
	_ =	sdelay $0x2  }
0x334: {  	v13 =	vadd.f32 v13, v7;
	_ =	sdelay $0x1  }
0x335: {  	[tilespmem:v9+s23+$0x0] =	vst.idx.msk $0xffff, v13  }
0x336: {  	v9 =	vld [tilespmem:s29+$0xD0]  }
0x337: {  	v12 =	vadd.s32 v12, v15  }
0x338: {  	v12 =	vor.u32 $0x7, v12;
	_ =	sdelay $0x2  }
0x339: {  	v9 =	vadd.f32 v9, v8;
	_ =	sdelay $0x1  }
0x33a: {  	[tilespmem:v12+s23+$0x0] =	vst.idx.msk $0xffff, v9  }
0x33b: {  	v9 =	vld [tilespmem:s29+$0xE0]  }
0x33c: {  	v11 =	vadd.s32 v11, v15  }
0x33d: {  	v12 =	vor.u32 $0x7, v11  }
0x33e: {  	s9 =	simm.s32 $0x0;
	s11 =	simm.s32 $0x9  }
0x33f: {  	s30 =	simm.s32 $0x17;
	s0 =	simm.s32 $0x8;
	v11 =	vadd.s32 v10, v15;
	v10 =	vmov s9;
	s9 =	sand.u32 $0x78, s11  }
0x340: {  	s31 =	simm.s32 $0x1;
	s0 =	sand.u32 $0x78, s0;
	s11 =	simm.s32 $0xB;
	v13 =	vmov s9;
	v14 =	vadd.f32 v9, v6  }
0x341: {  	v10 =	vmul.u32 $0x440, v10;
	s3 =	sand.u32 $0x78, s11;
	s9 =	simm.s32 $0xC;
	s11 =	simm.s32 $0xE;
	v13 =	vshrl.u32 v13, $0x3  }
0x342: {  	s26 =	simm.s32 $0xF;
	v16 =	vmov s3;
	s3 =	sand.u32 $0x78, s9;
	v9 =	vor.u32 $0x7, v11;
	v11 =	vmov s0;
	s0 =	sand.u32 $0x78, s11;
	[tilespmem:v12+s23+$0x0] =	vst.idx.msk $0xffff, v14  }
.LBB2_7:
0x343: {  	p0 =	sne.s32 s30, $0xFF  }
0x344: {  	v10 =	vbroadcast v10, $0x0;
	v12 =	vshll.u32 v13, v1;
	v13 =	vmov s3;
	v14 =	vld [tilespmem:s29+$0xF0];
	s29 =	sadd.s32 $0x200, s29;
	s3 =	smov.u32 s30;
	s30 =	sadd.s32 $0x8, s30  }
0x345: {  	v11 =	vshrl.u32 v11, $0x3;
	v15 =	vmov s0;
	v12 =	vbroadcast v12, $0x0  }
0x346: {  	s0 =	sadd.s32 $0xFFFFFFFB, s26;
	v13 =	vshrl.u32 v13, $0x3;
	v26 =	vadd.s32 v3, v10;
	v27 =	vadd.s32 v4, v10  }
0x347: {  	s0 =	sand.u32 $0x78, s0;
	v28 =	vadd.s32 v2, v10;
	v17 =	vadd.s32 v26, v12  }
0x348: {  	v29 =	vadd.s32 v0, v10;
	v10 =	vshll.u32 v13, v1;
	v30 =	vor.u32 $0x1, v17  }
0x349: {  	s9 =	sadd.s32 $0xFFFFFFFE, s26;
	v11 =	vshll.u32 v11, v1;
	v31 =	vadd.s32 v28, v12;
	v13 =	vadd.f32 v14, v5  }
0x34a: {  	s9 =	sand.u32 $0x78, s9;
	v11 =	vbroadcast v11, $0x0;
	v10 =	vbroadcast v10, $0x0;
	v14 =	vshrl.u32 v15, $0x3  }
0x34b: {  	v17 =	vmov s9;
	v15 =	vmov s0;
	s0 =	sand.u32 $0x78, s26;
	s26 =	smov.u32 s3;
	v14 =	vshll.u32 v14, v1;
	[tilespmem:v9+s23+$0x0] =	vst.idx.msk $0xffff, v13  }
0x34c: {  	v32 =	vadd.s32 v29, v12;
	v33 =	vadd.s32 v27, v12;
	v12 =	vmov s0;
	v9 =	vld [tilespmem:s29+$0xFFFFFF00]  }
0x34d: {  	v34 =	vadd.s32 v28, v11;
	v35 =	vadd.s32 v26, v11;
	v12 =	vshrl.u32 v12, $0x3  }
0x34e: {  	v21 =	vadd.s32 v26, v10;
	v17 =	vshrl.u32 v17, $0x3;
	v13 =	vadd.s32 v29, v11  }
0x34f: {  	v25 =	vadd.s32 v29, v10;
	v24 =	vadd.s32 v28, v10;
	v12 =	vshll.u32 v12, v1  }
0x350: {  	v36 =	vadd.s32 v27, v11;
	v11 =	vshll.u32 v17, v1;
	v18 =	vbroadcast v14, $0x0  }
0x351: {  	v14 =	vshrl.u32 v15, $0x3;
	v11 =	vbroadcast v11, $0x0;
	v9 =	vadd.f32 v9, v7  }
0x352: {  	v22 =	vadd.s32 v27, v10;
	v15 =	vshll.u32 v14, v1;
	v14 =	vadd.s32 v26, v18  }
0x353: {  	v17 =	vadd.s32 v29, v18;
	[tilespmem:v13+s23+$0x0] =	vst.idx.msk $0xffff, v9;
	v9 =	vbroadcast v15, $0x0;
	v15 =	vadd.s32 v28, v18  }
0x354: {  	v38 =	vbroadcast v12, $0x0;
	v13 =	vadd.s32 v27, v18;
	v37 =	vld [tilespmem:s29+$0xFFFFFF10]  }
0x355: {  	v23 =	vadd.s32 v29, v11;
	v39 =	vadd.s32 v29, v9;
	v40 =	vadd.s32 v28, v9  }
0x356: {  	v20 =	vadd.s32 v28, v11;
	v19 =	vadd.s32 v26, v11;
	v18 =	vadd.s32 v27, v11  }
0x357: {  	v12 =	vadd.s32 v29, v38;
	v41 =	vadd.s32 v26, v9;
	v42 =	vadd.s32 v27, v9  }
0x358: {  	v10 =	vadd.s32 v26, v38;
	v11 =	vadd.s32 v28, v38;
	v9 =	vadd.s32 v27, v38  }
0x359: {  	v37 =	vadd.f32 v37, v8;
	_ =	sdelay $0x1  }
0x35a: {  	[tilespmem:v34+s23+$0x0] =	vst.idx.msk $0xffff, v37  }
0x35b: {  	v34 =	vld [tilespmem:s29+$0xFFFFFF20];
	_ =	sdelay $0x4  }
0x35c: {  	v34 =	vadd.f32 v34, v6;
	_ =	sdelay $0x1  }
0x35d: {  	[tilespmem:v35+s23+$0x0] =	vst.idx.msk $0xffff, v34  }
0x35e: {  	v34 =	vld [tilespmem:s29+$0xFFFFFF30];
	_ =	sdelay $0x2  }
0x35f: {  	v32 =	vor.u32 $0x1, v32;
	_ =	sdelay $0x1  }
0x360: {  	v34 =	vadd.f32 v34, v5;
	_ =	sdelay $0x1  }
0x361: {  	[tilespmem:v36+s23+$0x0] =	vst.idx.msk $0xffff, v34  }
0x362: {  	v34 =	vld [tilespmem:s29+$0xFFFFFF40];
	_ =	sdelay $0x2  }
0x363: {  	v31 =	vor.u32 $0x1, v31;
	_ =	sdelay $0x1  }
0x364: {  	v34 =	vadd.f32 v34, v7;
	_ =	sdelay $0x1  }
0x365: {  	[tilespmem:v32+s23+$0x0] =	vst.idx.msk $0xffff, v34  }
0x366: {  	v32 =	vld [tilespmem:s29+$0xFFFFFF50];
	_ =	sdelay $0x4  }
0x367: {  	v32 =	vadd.f32 v32, v8;
	_ =	sdelay $0x1  }
0x368: {  	[tilespmem:v31+s23+$0x0] =	vst.idx.msk $0xffff, v32  }
0x369: {  	v31 =	vld [tilespmem:s29+$0xFFFFFF60];
	_ =	sdelay $0x2  }
0x36a: {  	v32 =	vor.u32 $0x1, v33;
	_ =	sdelay $0x1  }
0x36b: {  	v31 =	vadd.f32 v31, v6;
	_ =	sdelay $0x1  }
0x36c: {  	[tilespmem:v30+s23+$0x0] =	vst.idx.msk $0xffff, v31  }
0x36d: {  	v30 =	vld [tilespmem:s29+$0xFFFFFF70];
	_ =	sdelay $0x4  }
0x36e: {  	v30 =	vadd.f32 v30, v5;
	_ =	sdelay $0x1  }
0x36f: {  	[tilespmem:v32+s23+$0x0] =	vst.idx.msk $0xffff, v30  }
0x370: {  	v30 =	vld [tilespmem:s29+$0xFFFFFF80];
	_ =	sdelay $0x1  }
0x371: {  	v31 =	vor.u32 $0x2, v39;
	_ =	sdelay $0x2  }
0x372: {  	v30 =	vadd.f32 v30, v7;
	_ =	sdelay $0x1  }
0x373: {  	[tilespmem:v31+s23+$0x0] =	vst.idx.msk $0xffff, v30  }
0x374: {  	v30 =	vld [tilespmem:s29+$0xFFFFFF90];
	_ =	sdelay $0x1  }
0x375: {  	v31 =	vor.u32 $0x2, v40;
	_ =	sdelay $0x2  }
0x376: {  	v30 =	vadd.f32 v30, v8;
	_ =	sdelay $0x1  }
0x377: {  	[tilespmem:v31+s23+$0x0] =	vst.idx.msk $0xffff, v30  }
0x378: {  	v30 =	vld [tilespmem:s29+$0xFFFFFFA0];
	_ =	sdelay $0x1  }
0x379: {  	v31 =	vor.u32 $0x2, v41;
	_ =	sdelay $0x2  }
0x37a: {  	v30 =	vadd.f32 v30, v6;
	_ =	sdelay $0x1  }
0x37b: {  	[tilespmem:v31+s23+$0x0] =	vst.idx.msk $0xffff, v30  }
0x37c: {  	v30 =	vld [tilespmem:s29+$0xFFFFFFB0]  }
0x37d: {  	v16 =	vshrl.u32 v16, $0x3  }
0x37e: {  	v16 =	vshll.u32 v16, v1;
	v31 =	vor.u32 $0x2, v42  }
0x37f: {  	v16 =	vbroadcast v16, $0x0;
	_ =	sdelay $0x1  }
0x380: {  	v29 =	vadd.s32 v29, v16;
	v28 =	vadd.s32 v28, v16;
	v30 =	vadd.f32 v30, v5  }
0x381: {  	v26 =	vadd.s32 v26, v16;
	v16 =	vadd.s32 v27, v16;
	v29 =	vor.u32 $0x3, v29  }
0x382: {  	[tilespmem:v31+s23+$0x0] =	vst.idx.msk $0xffff, v30  }
0x383: {  	v27 =	vld [tilespmem:s29+$0xFFFFFFC0];
	_ =	sdelay $0x4  }
0x384: {  	v27 =	vadd.f32 v27, v7  }
0x385: {  	v28 =	vor.u32 $0x3, v28  }
0x386: {  	[tilespmem:v29+s23+$0x0] =	vst.idx.msk $0xffff, v27  }
0x387: {  	v27 =	vld [tilespmem:s29+$0xFFFFFFD0];
	_ =	sdelay $0x4  }
0x388: {  	v27 =	vadd.f32 v27, v8  }
0x389: {  	v26 =	vor.u32 $0x3, v26  }
0x38a: {  	[tilespmem:v28+s23+$0x0] =	vst.idx.msk $0xffff, v27  }
0x38b: {  	v27 =	vld [tilespmem:s29+$0xFFFFFFE0];
	_ =	sdelay $0x4  }
0x38c: {  	v27 =	vadd.f32 v27, v6  }
0x38d: {  	v16 =	vor.u32 $0x3, v16  }
0x38e: {  	[tilespmem:v26+s23+$0x0] =	vst.idx.msk $0xffff, v27  }
0x38f: {  	v26 =	vld [tilespmem:s29+$0xFFFFFFF0];
	_ =	sdelay $0x4  }
0x390: {  	v26 =	vadd.f32 v26, v5;
	_ =	sdelay $0x1  }
0x391: {  	[tilespmem:v16+s23+$0x0] =	vst.idx.msk $0xffff, v26;
	v16 =	vor.u32 $0x4, v25  }
0x392: {  	v25 =	vld [tilespmem:s29+$0x0];
	_ =	sdelay $0x4  }
0x393: {  	v25 =	vadd.f32 v25, v7;
	_ =	sdelay $0x1  }
0x394: {  	[tilespmem:v16+s23+$0x0] =	vst.idx.msk $0xffff, v25;
	v16 =	vor.u32 $0x4, v24  }
0x395: {  	v24 =	vld [tilespmem:s29+$0x10];
	_ =	sdelay $0x4  }
0x396: {  	v24 =	vadd.f32 v24, v8;
	_ =	sdelay $0x1  }
0x397: {  	[tilespmem:v16+s23+$0x0] =	vst.idx.msk $0xffff, v24;
	v16 =	vor.u32 $0x4, v21  }
0x398: {  	v21 =	vld [tilespmem:s29+$0x20];
	_ =	sdelay $0x4  }
0x399: {  	v21 =	vadd.f32 v21, v6;
	_ =	sdelay $0x1  }
0x39a: {  	[tilespmem:v16+s23+$0x0] =	vst.idx.msk $0xffff, v21;
	v16 =	vor.u32 $0x4, v22  }
0x39b: {  	v21 =	vld [tilespmem:s29+$0x30];
	_ =	sdelay $0x4  }
0x39c: {  	v21 =	vadd.f32 v21, v5;
	_ =	sdelay $0x1  }
0x39d: {  	[tilespmem:v16+s23+$0x0] =	vst.idx.msk $0xffff, v21  }
0x39e: {  	v21 =	vor.u32 $0x5, v23;
	v16 =	vld [tilespmem:s29+$0x40];
	_ =	sdelay $0x4  }
0x39f: {  	v16 =	vadd.f32 v16, v7;
	_ =	sdelay $0x1  }
0x3a0: {  	[tilespmem:v21+s23+$0x0] =	vst.idx.msk $0xffff, v16  }
0x3a1: {  	v20 =	vor.u32 $0x5, v20;
	v16 =	vld [tilespmem:s29+$0x50];
	_ =	sdelay $0x4  }
0x3a2: {  	v16 =	vadd.f32 v16, v8;
	_ =	sdelay $0x1  }
0x3a3: {  	[tilespmem:v20+s23+$0x0] =	vst.idx.msk $0xffff, v16  }
0x3a4: {  	v19 =	vor.u32 $0x5, v19;
	v16 =	vld [tilespmem:s29+$0x60];
	_ =	sdelay $0x4  }
0x3a5: {  	v16 =	vadd.f32 v16, v6;
	_ =	sdelay $0x1  }
0x3a6: {  	[tilespmem:v19+s23+$0x0] =	vst.idx.msk $0xffff, v16  }
0x3a7: {  	v18 =	vor.u32 $0x5, v18;
	v16 =	vld [tilespmem:s29+$0x70];
	_ =	sdelay $0x4  }
0x3a8: {  	v16 =	vadd.f32 v16, v5;
	_ =	sdelay $0x1  }
0x3a9: {  	[tilespmem:v18+s23+$0x0] =	vst.idx.msk $0xffff, v16;
	v16 =	vor.u32 $0x6, v17  }
0x3aa: {  	v17 =	vld [tilespmem:s29+$0x80];
	_ =	sdelay $0x4  }
0x3ab: {  	v17 =	vadd.f32 v17, v7;
	_ =	sdelay $0x1  }
0x3ac: {  	v15 =	vor.u32 $0x6, v15;
	[tilespmem:v16+s23+$0x0] =	vst.idx.msk $0xffff, v17  }
0x3ad: {  	v16 =	vld [tilespmem:s29+$0x90];
	_ =	sdelay $0x4  }
0x3ae: {  	v16 =	vadd.f32 v16, v8;
	_ =	sdelay $0x1  }
0x3af: {  	v14 =	vor.u32 $0x6, v14;
	[tilespmem:v15+s23+$0x0] =	vst.idx.msk $0xffff, v16  }
0x3b0: {  	v15 =	vld [tilespmem:s29+$0xA0];
	_ =	sdelay $0x4  }
0x3b1: {  	v15 =	vadd.f32 v15, v6;
	_ =	sdelay $0x1  }
0x3b2: {  	v13 =	vor.u32 $0x6, v13;
	[tilespmem:v14+s23+$0x0] =	vst.idx.msk $0xffff, v15  }
0x3b3: {  	v14 =	vld [tilespmem:s29+$0xB0];
	_ =	sdelay $0x4  }
0x3b4: {  	v14 =	vadd.f32 v14, v5;
	_ =	sdelay $0x1  }
0x3b5: {  	[tilespmem:v13+s23+$0x0] =	vst.idx.msk $0xffff, v14  }
0x3b6: {  	v13 =	vld [tilespmem:s29+$0xC0];
	_ =	sdelay $0x1  }
0x3b7: {  	v12 =	vor.u32 $0x7, v12;
	_ =	sdelay $0x2  }
0x3b8: {  	v13 =	vadd.f32 v13, v7;
	_ =	sdelay $0x1  }
0x3b9: {  	[tilespmem:v12+s23+$0x0] =	vst.idx.msk $0xffff, v13  }
0x3ba: {  	v12 =	vld [tilespmem:s29+$0xD0];
	_ =	sdelay $0x1  }
0x3bb: {  	v11 =	vor.u32 $0x7, v11;
	_ =	sdelay $0x2  }
0x3bc: {  	v12 =	vadd.f32 v12, v8;
	_ =	sdelay $0x1  }
0x3bd: {  	[tilespmem:v11+s23+$0x0] =	vst.idx.msk $0xffff, v12  }
0x3be: {  	v11 =	vld [tilespmem:s29+$0xE0];
	_ =	sdelay $0x1  }
0x3bf: {  	v12 =	vor.u32 $0x7, v10  }
.Ltmp2:
0x3c0: {  	s31 =	sadd.s32 $0x1, s31;
	(pc) =	sbr.rel @p0 .LBB2_7-.Ltmp2, $4  }
0x3c1: {  	s3 =	sshrl.u32 s31, $0x4;
	s0 =	sadd.s32 $0xFFFFFFF9, s26;
	s9 =	sadd.s32 $0xFFFFFFFA, s26  }
0x3c2: {  	s0 =	sand.u32 $0x78, s0;
	v10 =	vmov s3;
	s3 =	sand.u32 $0x78, s9;
	s9 =	sadd.s32 $0xFFFFFFFC, s26;
	v14 =	vadd.f32 v11, v6  }
0x3c3: {  	s11 =	sadd.s32 $0xFFFFFFFF, s26;
	v9 =	vor.u32 $0x7, v9;
	v10 =	vmul.u32 $0x440, v10;
	v13 =	vmov s3;
	s3 =	sand.u32 $0x78, s9;
	s9 =	sadd.s32 $0xFFFFFFFD, s26  }
0x3c4: {  	v13 =	vshrl.u32 v13, $0x3;
	v16 =	vmov s3;
	s3 =	sand.u32 $0x78, s9;
	v11 =	vmov s0;
	s0 =	sand.u32 $0x78, s11;
	[tilespmem:v12+s23+$0x0] =	vst.idx.msk $0xffff, v14  }
0x3c5: {  	v12 =	vld [tilespmem:s29+$0xF0];
	_ =	sdelay $0x4  }
0x3c6: {  	v12 =	vadd.f32 v12, v5  }
0x3c7: {  	v11 =	vshrl.u32 v11, $0x3  }
0x3c8: {  	v10 =	vbroadcast v10, $0x0;
	s29 =	sadd.s32 $0x200, s29;
	v11 =	vshll.u32 v11, v1;
	[tilespmem:v9+s23+$0x0] =	vst.idx.msk $0xffff, v12  }
0x3c9: {  	v14 =	vbroadcast v11, $0x0;
	v9 =	vld [tilespmem:s29+$0xFFFFFF00]  }
0x3ca: {  	v31 =	vadd.s32 v0, v10  }
0x3cb: {  	v11 =	vadd.s32 v31, v14;
	_ =	sdelay $0x2  }
0x3cc: {  	v9 =	vadd.f32 v9, v7;
	_ =	sdelay $0x1  }
0x3cd: {  	[tilespmem:v11+s23+$0x0] =	vst.idx.msk $0xffff, v9  }
0x3ce: {  	v9 =	vld [tilespmem:s29+$0xFFFFFF10]  }
0x3cf: {  	v32 =	vadd.s32 v2, v10  }
0x3d0: {  	v15 =	vadd.s32 v32, v14;
	_ =	sdelay $0x2  }
0x3d1: {  	v9 =	vadd.f32 v9, v8;
	_ =	sdelay $0x1  }
0x3d2: {  	[tilespmem:v15+s23+$0x0] =	vst.idx.msk $0xffff, v9  }
0x3d3: {  	v15 =	vld [tilespmem:s29+$0xFFFFFF20]  }
0x3d4: {  	v33 =	vadd.s32 v3, v10  }
0x3d5: {  	v17 =	vadd.s32 v33, v14;
	_ =	sdelay $0x2  }
0x3d6: {  	v15 =	vadd.f32 v15, v6;
	_ =	sdelay $0x1  }
0x3d7: {  	[tilespmem:v17+s23+$0x0] =	vst.idx.msk $0xffff, v15  }
0x3d8: {  	v15 =	vld [tilespmem:s29+$0xFFFFFF30]  }
0x3d9: {  	v10 =	vadd.s32 v4, v10  }
0x3da: {  	v14 =	vadd.s32 v10, v14;
	_ =	sdelay $0x2  }
0x3db: {  	v15 =	vadd.f32 v15, v5  }
0x3dc: {  	v13 =	vshll.u32 v13, v1  }
0x3dd: {  	v13 =	vbroadcast v13, $0x0;
	[tilespmem:v14+s23+$0x0] =	vst.idx.msk $0xffff, v15  }
0x3de: {  	v14 =	vld [tilespmem:s29+$0xFFFFFF40]  }
0x3df: {  	v34 =	vadd.s32 v31, v13  }
0x3e0: {  	v15 =	vor.u32 $0x1, v34;
	_ =	sdelay $0x2  }
0x3e1: {  	v14 =	vadd.f32 v14, v7;
	_ =	sdelay $0x1  }
0x3e2: {  	[tilespmem:v15+s23+$0x0] =	vst.idx.msk $0xffff, v14  }
0x3e3: {  	v14 =	vld [tilespmem:s29+$0xFFFFFF50]  }
0x3e4: {  	v35 =	vadd.s32 v32, v13  }
0x3e5: {  	v15 =	vor.u32 $0x1, v35;
	_ =	sdelay $0x2  }
0x3e6: {  	v14 =	vadd.f32 v14, v8;
	_ =	sdelay $0x1  }
0x3e7: {  	[tilespmem:v15+s23+$0x0] =	vst.idx.msk $0xffff, v14  }
0x3e8: {  	v14 =	vld [tilespmem:s29+$0xFFFFFF60]  }
0x3e9: {  	v36 =	vadd.s32 v33, v13  }
0x3ea: {  	v15 =	vor.u32 $0x1, v36;
	_ =	sdelay $0x2  }
0x3eb: {  	v14 =	vadd.f32 v14, v6;
	_ =	sdelay $0x1  }
0x3ec: {  	[tilespmem:v15+s23+$0x0] =	vst.idx.msk $0xffff, v14  }
0x3ed: {  	v14 =	vld [tilespmem:s29+$0xFFFFFF70]  }
0x3ee: {  	v13 =	vadd.s32 v10, v13  }
0x3ef: {  	s9 =	sadd.s32 $0xFFFFFFFB, s26;
	v13 =	vor.u32 $0x1, v13  }
0x3f0: {  	s9 =	sand.u32 $0x78, s9  }
0x3f1: {  	v37 =	vmov s9  }
0x3f2: {  	v15 =	vshrl.u32 v37, $0x3;
	v14 =	vadd.f32 v14, v5  }
0x3f3: {  	v15 =	vshll.u32 v15, v1  }
0x3f4: {  	v15 =	vbroadcast v15, $0x0;
	[tilespmem:v13+s23+$0x0] =	vst.idx.msk $0xffff, v14  }
0x3f5: {  	v13 =	vld [tilespmem:s29+$0xFFFFFF80]  }
0x3f6: {  	v38 =	vadd.s32 v31, v15  }
0x3f7: {  	v14 =	vor.u32 $0x2, v38;
	_ =	sdelay $0x2  }
0x3f8: {  	v13 =	vadd.f32 v13, v7;
	_ =	sdelay $0x1  }
0x3f9: {  	[tilespmem:v14+s23+$0x0] =	vst.idx.msk $0xffff, v13  }
0x3fa: {  	v13 =	vld [tilespmem:s29+$0xFFFFFF90]  }
0x3fb: {  	v39 =	vadd.s32 v32, v15  }
0x3fc: {  	v14 =	vor.u32 $0x2, v39;
	_ =	sdelay $0x2  }
0x3fd: {  	v13 =	vadd.f32 v13, v8;
	_ =	sdelay $0x1  }
0x3fe: {  	[tilespmem:v14+s23+$0x0] =	vst.idx.msk $0xffff, v13  }
0x3ff: {  	v13 =	vld [tilespmem:s29+$0xFFFFFFA0]  }
0x400: {  	v40 =	vadd.s32 v33, v15  }
0x401: {  	v14 =	vor.u32 $0x2, v40;
	_ =	sdelay $0x2  }
0x402: {  	v13 =	vadd.f32 v13, v6;
	_ =	sdelay $0x1  }
0x403: {  	[tilespmem:v14+s23+$0x0] =	vst.idx.msk $0xffff, v13  }
0x404: {  	v13 =	vld [tilespmem:s29+$0xFFFFFFB0]  }
0x405: {  	v41 =	vadd.s32 v10, v15  }
0x406: {  	v14 =	vor.u32 $0x2, v41;
	_ =	sdelay $0x2  }
0x407: {  	v42 =	vshrl.u32 v16, $0x3;
	v13 =	vadd.f32 v13, v5  }
0x408: {  	v15 =	vshll.u32 v42, v1  }
0x409: {  	v15 =	vbroadcast v15, $0x0;
	[tilespmem:v14+s23+$0x0] =	vst.idx.msk $0xffff, v13  }
0x40a: {  	v13 =	vld [tilespmem:s29+$0xFFFFFFC0]  }
0x40b: {  	v43 =	vadd.s32 v31, v15  }
0x40c: {  	v14 =	vor.u32 $0x3, v43;
	_ =	sdelay $0x2  }
0x40d: {  	v13 =	vadd.f32 v13, v7;
	_ =	sdelay $0x1  }
0x40e: {  	[tilespmem:v14+s23+$0x0] =	vst.idx.msk $0xffff, v13  }
0x40f: {  	v13 =	vld [tilespmem:s29+$0xFFFFFFD0]  }
0x410: {  	v44 =	vadd.s32 v32, v15  }
0x411: {  	v14 =	vor.u32 $0x3, v44;
	_ =	sdelay $0x2  }
0x412: {  	v13 =	vadd.f32 v13, v8;
	_ =	sdelay $0x1  }
0x413: {  	[tilespmem:v14+s23+$0x0] =	vst.idx.msk $0xffff, v13  }
0x414: {  	v13 =	vld [tilespmem:s29+$0xFFFFFFE0]  }
0x415: {  	v45 =	vadd.s32 v33, v15  }
0x416: {  	v14 =	vor.u32 $0x3, v45;
	_ =	sdelay $0x2  }
0x417: {  	v13 =	vadd.f32 v13, v6;
	_ =	sdelay $0x1  }
0x418: {  	[tilespmem:v14+s23+$0x0] =	vst.idx.msk $0xffff, v13  }
0x419: {  	v13 =	vld [tilespmem:s29+$0xFFFFFFF0]  }
0x41a: {  	v46 =	vadd.s32 v10, v15  }
0x41b: {  	v14 =	vor.u32 $0x3, v46;
	_ =	sdelay $0x1  }
0x41c: {  	v47 =	vmov s3  }
0x41d: {  	v15 =	vshrl.u32 v47, $0x3;
	v13 =	vadd.f32 v13, v5  }
0x41e: {  	v15 =	vshll.u32 v15, v1  }
0x41f: {  	v15 =	vbroadcast v15, $0x0;
	[tilespmem:v14+s23+$0x0] =	vst.idx.msk $0xffff, v13  }
0x420: {  	v13 =	vld [tilespmem:s29+$0x0]  }
0x421: {  	v48 =	vadd.s32 v31, v15  }
0x422: {  	v14 =	vor.u32 $0x4, v48;
	_ =	sdelay $0x2  }
0x423: {  	v13 =	vadd.f32 v13, v7;
	_ =	sdelay $0x1  }
0x424: {  	[tilespmem:v14+s23+$0x0] =	vst.idx.msk $0xffff, v13  }
0x425: {  	v13 =	vld [tilespmem:s29+$0x10]  }
0x426: {  	v49 =	vadd.s32 v32, v15  }
0x427: {  	v14 =	vor.u32 $0x4, v49;
	_ =	sdelay $0x2  }
0x428: {  	v13 =	vadd.f32 v13, v8;
	_ =	sdelay $0x1  }
0x429: {  	[tilespmem:v14+s23+$0x0] =	vst.idx.msk $0xffff, v13  }
0x42a: {  	v13 =	vld [tilespmem:s29+$0x20]  }
0x42b: {  	v50 =	vadd.s32 v33, v15  }
0x42c: {  	v14 =	vor.u32 $0x4, v50;
	_ =	sdelay $0x2  }
0x42d: {  	v13 =	vadd.f32 v13, v6;
	_ =	sdelay $0x1  }
0x42e: {  	[tilespmem:v14+s23+$0x0] =	vst.idx.msk $0xffff, v13  }
0x42f: {  	v13 =	vld [tilespmem:s29+$0x30]  }
0x430: {  	v51 =	vadd.s32 v10, v15  }
0x431: {  	s30 =	sadd.s32 $0xFFFFFFFE, s26;
	v14 =	vor.u32 $0x4, v51  }
0x432: {  	s3 =	sand.u32 $0x78, s30  }
0x433: {  	v52 =	vmov s3  }
0x434: {  	v15 =	vshrl.u32 v52, $0x3;
	v13 =	vadd.f32 v13, v5  }
0x435: {  	v15 =	vshll.u32 v15, v1  }
0x436: {  	v15 =	vbroadcast v15, $0x0;
	[tilespmem:v14+s23+$0x0] =	vst.idx.msk $0xffff, v13  }
0x437: {  	v13 =	vld [tilespmem:s29+$0x40]  }
0x438: {  	v53 =	vadd.s32 v31, v15  }
0x439: {  	v14 =	vor.u32 $0x5, v53;
	_ =	sdelay $0x2  }
0x43a: {  	v13 =	vadd.f32 v13, v7;
	_ =	sdelay $0x1  }
0x43b: {  	[tilespmem:v14+s23+$0x0] =	vst.idx.msk $0xffff, v13  }
0x43c: {  	v13 =	vld [tilespmem:s29+$0x50]  }
0x43d: {  	v54 =	vadd.s32 v32, v15  }
0x43e: {  	v14 =	vor.u32 $0x5, v54;
	_ =	sdelay $0x2  }
0x43f: {  	v13 =	vadd.f32 v13, v8;
	_ =	sdelay $0x1  }
0x440: {  	[tilespmem:v14+s23+$0x0] =	vst.idx.msk $0xffff, v13  }
0x441: {  	v13 =	vld [tilespmem:s29+$0x60]  }
0x442: {  	v55 =	vadd.s32 v33, v15  }
0x443: {  	v14 =	vor.u32 $0x5, v55;
	_ =	sdelay $0x2  }
0x444: {  	v13 =	vadd.f32 v13, v6;
	_ =	sdelay $0x1  }
0x445: {  	[tilespmem:v14+s23+$0x0] =	vst.idx.msk $0xffff, v13  }
0x446: {  	v13 =	vld [tilespmem:s29+$0x70]  }
0x447: {  	v56 =	vadd.s32 v10, v15  }
0x448: {  	v14 =	vor.u32 $0x5, v56;
	_ =	sdelay $0x1  }
0x449: {  	v57 =	vmov s0  }
0x44a: {  	v15 =	vshrl.u32 v57, $0x3;
	v13 =	vadd.f32 v13, v5  }
0x44b: {  	v15 =	vshll.u32 v15, v1  }
0x44c: {  	v15 =	vbroadcast v15, $0x0;
	[tilespmem:v14+s23+$0x0] =	vst.idx.msk $0xffff, v13  }
0x44d: {  	v13 =	vld [tilespmem:s29+$0x80]  }
0x44e: {  	v58 =	vadd.s32 v31, v15  }
0x44f: {  	v14 =	vor.u32 $0x6, v58;
	_ =	sdelay $0x2  }
0x450: {  	v13 =	vadd.f32 v13, v7;
	_ =	sdelay $0x1  }
0x451: {  	[tilespmem:v14+s23+$0x0] =	vst.idx.msk $0xffff, v13  }
0x452: {  	v13 =	vld [tilespmem:s29+$0x90]  }
0x453: {  	v59 =	vadd.s32 v32, v15  }
0x454: {  	v14 =	vor.u32 $0x6, v59;
	_ =	sdelay $0x2  }
0x455: {  	v13 =	vadd.f32 v13, v8;
	_ =	sdelay $0x1  }
0x456: {  	[tilespmem:v14+s23+$0x0] =	vst.idx.msk $0xffff, v13  }
0x457: {  	v13 =	vld [tilespmem:s29+$0xA0]  }
0x458: {  	v60 =	vadd.s32 v33, v15  }
0x459: {  	v14 =	vor.u32 $0x6, v60;
	_ =	sdelay $0x2  }
0x45a: {  	v13 =	vadd.f32 v13, v6;
	_ =	sdelay $0x1  }
0x45b: {  	[tilespmem:v14+s23+$0x0] =	vst.idx.msk $0xffff, v13  }
0x45c: {  	v13 =	vld [tilespmem:s29+$0xB0]  }
0x45d: {  	v61 =	vadd.s32 v10, v15  }
0x45e: {  	v14 =	vor.u32 $0x6, v61  }
0x45f: {  	s31 =	sand.u32 $0x78, s26  }
0x460: {  	v62 =	vmov s31  }
0x461: {  	v15 =	vshrl.u32 v62, $0x3;
	v13 =	vadd.f32 v13, v5  }
0x462: {  	v15 =	vshll.u32 v15, v1  }
0x463: {  	v15 =	vbroadcast v15, $0x0;
	[tilespmem:v14+s23+$0x0] =	vst.idx.msk $0xffff, v13  }
0x464: {  	v13 =	vld [tilespmem:s29+$0xC0]  }
0x465: {  	v12 =	vadd.s32 v31, v15  }
0x466: {  	v12 =	vor.u32 $0x7, v12;
	_ =	sdelay $0x2  }
0x467: {  	v7 =	vadd.f32 v13, v7;
	_ =	sdelay $0x1  }
0x468: {  	[tilespmem:v12+s23+$0x0] =	vst.idx.msk $0xffff, v7  }
0x469: {  	v7 =	vld [tilespmem:s29+$0xD0]  }
0x46a: {  	v11 =	vadd.s32 v32, v15  }
0x46b: {  	v11 =	vor.u32 $0x7, v11;
	_ =	sdelay $0x2  }
0x46c: {  	v7 =	vadd.f32 v7, v8;
	_ =	sdelay $0x1  }
0x46d: {  	[tilespmem:v11+s23+$0x0] =	vst.idx.msk $0xffff, v7  }
0x46e: {  	v7 =	vld [tilespmem:s29+$0xE0]  }
0x46f: {  	v63 =	vadd.s32 v33, v15  }
0x470: {  	v8 =	vor.u32 $0x7, v63;
	_ =	sdelay $0x2  }
0x471: {  	v6 =	vadd.f32 v7, v6;
	_ =	sdelay $0x1  }
0x472: {  	[tilespmem:v8+s23+$0x0] =	vst.idx.msk $0xffff, v6  }
0x473: {  	v6 =	vld [tilespmem:s29+$0xF0]  }
0x474: {  	v7 =	vadd.s32 v10, v15  }
0x475: {  	v7 =	vor.u32 $0x7, v7;
	_ =	sdelay $0x2  }
0x476: {  	v5 =	vadd.f32 v6, v5  }
0x477: {  	s3 =	sadd.s32 s28, s1  }
0x478: {  	s9 =	simm.s32 $0x11400;
	s11 =	sadd.s32 $0x100, s3;
	[tilespmem:v7+s23+$0x0] =	vst.idx.msk $0xffff, v5  }
0x479: {  	[hbm4b:s11+s2] =	stream.linear.scatter [tilespmem:s9], [sflag:$0x3], $0x80, $0x38;
	[tilespmem:$0x16200] =	vst v63  }
0x47a: {  	s26 =	simm.s32 $0x11488;
	s28 =	sadd.s32 $0x10, s11  }
0x47b: {  	[hbm4b:s28+s2] =	stream.linear.scatter [tilespmem:s26], [sflag:$0x3], $0x80, $0x38;
	[tilespmem:$0x16200] =	vst v63  }
0x47c: {  	s30 =	simm.s32 $0x11510;
	s31 =	sadd.s32 $0x20, s11  }
0x47d: {  	[hbm4b:s31+s2] =	stream.linear.scatter [tilespmem:s30], [sflag:$0x3], $0x80, $0x38;
	[tilespmem:$0x16200] =	vst v63  }
0x47e: {  	s3 =	simm.s32 $0x11598;
	s9 =	sadd.s32 $0x30, s11  }
0x47f: {  	[hbm4b:s9+s2] =	stream.linear.scatter [tilespmem:s3], [sflag:$0x3], $0x80, $0x38;
	[tilespmem:$0x16200] =	vst v63  }
0x480: {  	s26 =	simm.s32 $0x11620;
	s28 =	sadd.s32 $0x40, s11  }
0x481: {  	[hbm4b:s28+s2] =	stream.linear.scatter [tilespmem:s26], [sflag:$0x3], $0x80, $0x38;
	[tilespmem:$0x16200] =	vst v63  }
0x482: {  	s30 =	simm.s32 $0x116A8;
	s31 =	sadd.s32 $0x50, s11  }
0x483: {  	[hbm4b:s31+s2] =	stream.linear.scatter [tilespmem:s30], [sflag:$0x3], $0x80, $0x38;
	[tilespmem:$0x16200] =	vst v63  }
0x484: {  	s3 =	simm.s32 $0x11730;
	s9 =	sadd.s32 $0x60, s11  }
0x485: {  	[hbm4b:s9+s2] =	stream.linear.scatter [tilespmem:s3], [sflag:$0x3], $0x80, $0x38;
	[tilespmem:$0x16200] =	vst v63  }
0x486: {  	s26 =	simm.s32 $0x117B8;
	s28 =	sadd.s32 $0x70, s11  }
0x487: {  	[hbm4b:s28+s2] =	stream.linear.scatter [tilespmem:s26], [sflag:$0x3], $0x80, $0x38;
	[tilespmem:$0x16200] =	vst v63  }
0x488: {  	s30 =	simm.s32 $0x11840;
	s31 =	sadd.s32 $0x80, s11  }
0x489: {  	[hbm4b:s31+s2] =	stream.linear.scatter [tilespmem:s30], [sflag:$0x3], $0x80, $0x38;
	[tilespmem:$0x16200] =	vst v63  }
0x48a: {  	s3 =	simm.s32 $0x118C8;
	s9 =	sadd.s32 $0x90, s11  }
0x48b: {  	[hbm4b:s9+s2] =	stream.linear.scatter [tilespmem:s3], [sflag:$0x3], $0x80, $0x38;
	[tilespmem:$0x16200] =	vst v63  }
0x48c: {  	s0 =	simm.s32 $0x880;
	s26 =	simm.s32 $0x11950;
	s28 =	sadd.s32 $0xA0, s11  }
0x48d: {  	[hbm4b:s28+s2] =	stream.linear.scatter [tilespmem:s26], [sflag:$0x3], $0x80, $0x38;
	[tilespmem:$0x16200] =	vst v63  }
0x48e: {  	s29 =	simm.s32 $0x4400;
	s30 =	simm.s32 $0x119D8;
	s31 =	sadd.s32 $0xB0, s11  }
0x48f: {  	[hbm4b:s31+s2] =	stream.linear.scatter [tilespmem:s30], [sflag:$0x3], $0x80, $0x38;
	[tilespmem:$0x16200] =	vst v63  }
0x490: {  	s3 =	simm.s32 $0x11A60;
	s9 =	sadd.s32 $0xC0, s11;
	s26 =	simm.s32 $0x11AE8  }
0x491: {  	[hbm4b:s9+s2] =	stream.linear.scatter [tilespmem:s3], [sflag:$0x3], $0x80, $0x38;
	[tilespmem:$0x16200] =	vst v63  }
0x492: {  	s28 =	sadd.s32 $0xD0, s11;
	s30 =	simm.s32 $0x11B70;
	s31 =	sadd.s32 $0xE0, s11  }
0x493: {  	[hbm4b:s28+s2] =	stream.linear.scatter [tilespmem:s26], [sflag:$0x3], $0x80, $0x38;
	[tilespmem:$0x16200] =	vst v63  }
0x494: {  	s3 =	simm.s32 $0x11BF8;
	s9 =	sadd.s32 $0xF0, s11;
	s26 =	sadd.s32 $0x4000, s11  }
0x495: {  	[hbm4b:s31+s2] =	stream.linear.scatter [tilespmem:s30], [sflag:$0x3], $0x80, $0x38;
	[tilespmem:$0x16200] =	vst v63  }
.LBB2_9:
0x496: {  	[hbm4b:s9+s2] =	stream.linear.scatter [tilespmem:s3], [sflag:$0x3], $0x80, $0x38;
	[tilespmem:$0x16200] =	vst v63  }
0x497: {  	s3 =	smov.u32 s0;
	s0 =	smov.u32 s29  }
0x498: {  	s28 =	sadd.s32 $0x2200, s29;
	s0 =	sshra.s32 s0, $0x2;
	s9 =	sadd.s32 $0x11400, s3  }
0x499: {  	[hbm4b:s26+s2] =	stream.linear.scatter [tilespmem:s9], [sflag:$0x3], $0x80, $0x38;
	[tilespmem:$0x16200] =	vst v63  }
0x49a: {  	p0 =	sne.s32 s29, $0xEE00;
	s11 =	sadd.s32 $0x10, s26;
	s9 =	sadd.s32 $0x11488, s3  }
0x49b: {  	[hbm4b:s11+s2] =	stream.linear.scatter [tilespmem:s9], [sflag:$0x3], $0x80, $0x38;
	[tilespmem:$0x16200] =	vst v63  }
0x49c: {  	s9 =	sadd.s32 $0x11510, s3;
	s11 =	sadd.s32 $0x20, s26  }
0x49d: {  	[hbm4b:s11+s2] =	stream.linear.scatter [tilespmem:s9], [sflag:$0x3], $0x80, $0x38;
	[tilespmem:$0x16200] =	vst v63  }
0x49e: {  	s9 =	sadd.s32 $0x11598, s3;
	s11 =	sadd.s32 $0x30, s26  }
0x49f: {  	[hbm4b:s11+s2] =	stream.linear.scatter [tilespmem:s9], [sflag:$0x3], $0x80, $0x38;
	[tilespmem:$0x16200] =	vst v63  }
0x4a0: {  	s9 =	sadd.s32 $0x11620, s3;
	s11 =	sadd.s32 $0x40, s26  }
0x4a1: {  	[hbm4b:s11+s2] =	stream.linear.scatter [tilespmem:s9], [sflag:$0x3], $0x80, $0x38;
	[tilespmem:$0x16200] =	vst v63  }
0x4a2: {  	s9 =	sadd.s32 $0x116A8, s3;
	s11 =	sadd.s32 $0x50, s26  }
0x4a3: {  	[hbm4b:s11+s2] =	stream.linear.scatter [tilespmem:s9], [sflag:$0x3], $0x80, $0x38;
	[tilespmem:$0x16200] =	vst v63  }
0x4a4: {  	s9 =	sadd.s32 $0x11730, s3;
	s11 =	sadd.s32 $0x60, s26  }
0x4a5: {  	[hbm4b:s11+s2] =	stream.linear.scatter [tilespmem:s9], [sflag:$0x3], $0x80, $0x38;
	[tilespmem:$0x16200] =	vst v63  }
0x4a6: {  	s9 =	sadd.s32 $0x117B8, s3;
	s11 =	sadd.s32 $0x70, s26  }
0x4a7: {  	[hbm4b:s11+s2] =	stream.linear.scatter [tilespmem:s9], [sflag:$0x3], $0x80, $0x38;
	[tilespmem:$0x16200] =	vst v63  }
0x4a8: {  	s9 =	sadd.s32 $0x11840, s3;
	s11 =	sadd.s32 $0x80, s26  }
0x4a9: {  	[hbm4b:s11+s2] =	stream.linear.scatter [tilespmem:s9], [sflag:$0x3], $0x80, $0x38;
	[tilespmem:$0x16200] =	vst v63  }
0x4aa: {  	s9 =	sadd.s32 $0x118C8, s3;
	s11 =	sadd.s32 $0x90, s26  }
0x4ab: {  	[hbm4b:s11+s2] =	stream.linear.scatter [tilespmem:s9], [sflag:$0x3], $0x80, $0x38;
	[tilespmem:$0x16200] =	vst v63  }
0x4ac: {  	s9 =	sadd.s32 $0x11950, s3;
	s11 =	sadd.s32 $0xA0, s26  }
0x4ad: {  	[hbm4b:s11+s2] =	stream.linear.scatter [tilespmem:s9], [sflag:$0x3], $0x80, $0x38;
	[tilespmem:$0x16200] =	vst v63  }
0x4ae: {  	s9 =	sadd.s32 $0x119D8, s3;
	s11 =	sadd.s32 $0xB0, s26  }
0x4af: {  	[hbm4b:s11+s2] =	stream.linear.scatter [tilespmem:s9], [sflag:$0x3], $0x80, $0x38;
	[tilespmem:$0x16200] =	vst v63  }
0x4b0: {  	s9 =	sadd.s32 $0x11A60, s3;
	s11 =	sadd.s32 $0xC0, s26  }
0x4b1: {  	[hbm4b:s11+s2] =	stream.linear.scatter [tilespmem:s9], [sflag:$0x3], $0x80, $0x38;
	[tilespmem:$0x16200] =	vst v63  }
.Ltmp3:
0x4b2: {  	s9 =	sadd.s32 $0x11AE8, s3;
	s11 =	sadd.s32 $0xD0, s26;
	(pc) =	sbr.rel @p0 .LBB2_9-.Ltmp3, $4  }
0x4b3: {  	[hbm4b:s11+s2] =	stream.linear.scatter [tilespmem:s9], [sflag:$0x3], $0x80, $0x38;
	[tilespmem:$0x16200] =	vst v63  }
0x4b4: {  	s29 =	smov.u32 s28;
	s9 =	sadd.s32 $0x11B70, s3;
	s11 =	sadd.s32 $0xE0, s26  }
0x4b5: {  	[hbm4b:s11+s2] =	stream.linear.scatter [tilespmem:s9], [sflag:$0x3], $0x80, $0x38;
	[tilespmem:$0x16200] =	vst v63  }
0x4b6: {  	s3 =	sadd.s32 $0x11BF8, s3;
	s9 =	sadd.s32 $0xF0, s26;
	s26 =	sadd.s32 $0x4000, s26  }
0x4b7: {  	[hbm4b:s9+s2] =	stream.linear.scatter [tilespmem:s3], [sflag:$0x3], $0x80, $0x38;
	[tilespmem:$0x16200] =	vst v63  }
0x4b8: {  	s31 =	sadd.s32 $0x11400, s0  }
0x4b9: {  	[hbm4b:s26+s2] =	stream.linear.scatter [tilespmem:s31], [sflag:$0x3], $0x80, $0x38;
	[tilespmem:$0x16200] =	vst v63  }
0x4ba: {  	s9 =	sadd.s32 $0x11488, s0;
	s11 =	sadd.s32 $0x10, s26  }
0x4bb: {  	[hbm4b:s11+s2] =	stream.linear.scatter [tilespmem:s9], [sflag:$0x3], $0x80, $0x38;
	[tilespmem:$0x16200] =	vst v63  }
0x4bc: {  	s28 =	sadd.s32 $0x11510, s0;
	s29 =	sadd.s32 $0x20, s26  }
0x4bd: {  	[hbm4b:s29+s2] =	stream.linear.scatter [tilespmem:s28], [sflag:$0x3], $0x80, $0x38;
	[tilespmem:$0x16200] =	vst v63  }
0x4be: {  	s30 =	sadd.s32 $0x11598, s0;
	s31 =	sadd.s32 $0x30, s26  }
0x4bf: {  	[hbm4b:s31+s2] =	stream.linear.scatter [tilespmem:s30], [sflag:$0x3], $0x80, $0x38;
	[tilespmem:$0x16200] =	vst v63  }
0x4c0: {  	s9 =	sadd.s32 $0x11620, s0;
	s11 =	sadd.s32 $0x40, s26  }
0x4c1: {  	[hbm4b:s11+s2] =	stream.linear.scatter [tilespmem:s9], [sflag:$0x3], $0x80, $0x38;
	[tilespmem:$0x16200] =	vst v63  }
0x4c2: {  	s28 =	sadd.s32 $0x116A8, s0;
	s29 =	sadd.s32 $0x50, s26  }
0x4c3: {  	[hbm4b:s29+s2] =	stream.linear.scatter [tilespmem:s28], [sflag:$0x3], $0x80, $0x38;
	[tilespmem:$0x16200] =	vst v63  }
0x4c4: {  	s30 =	sadd.s32 $0x11730, s0;
	s31 =	sadd.s32 $0x60, s26  }
0x4c5: {  	[hbm4b:s31+s2] =	stream.linear.scatter [tilespmem:s30], [sflag:$0x3], $0x80, $0x38;
	[tilespmem:$0x16200] =	vst v63  }
0x4c6: {  	s9 =	sadd.s32 $0x117B8, s0;
	s11 =	sadd.s32 $0x70, s26  }
0x4c7: {  	[hbm4b:s11+s2] =	stream.linear.scatter [tilespmem:s9], [sflag:$0x3], $0x80, $0x38;
	[tilespmem:$0x16200] =	vst v63  }
0x4c8: {  	s28 =	sadd.s32 $0x11840, s0;
	s29 =	sadd.s32 $0x80, s26  }
0x4c9: {  	[hbm4b:s29+s2] =	stream.linear.scatter [tilespmem:s28], [sflag:$0x3], $0x80, $0x38;
	[tilespmem:$0x16200] =	vst v63  }
0x4ca: {  	s30 =	sadd.s32 $0x118C8, s0;
	s31 =	sadd.s32 $0x90, s26  }
0x4cb: {  	[hbm4b:s31+s2] =	stream.linear.scatter [tilespmem:s30], [sflag:$0x3], $0x80, $0x38;
	[tilespmem:$0x16200] =	vst v63  }
0x4cc: {  	s9 =	sadd.s32 $0x11950, s0;
	s11 =	sadd.s32 $0xA0, s26  }
0x4cd: {  	[hbm4b:s11+s2] =	stream.linear.scatter [tilespmem:s9], [sflag:$0x3], $0x80, $0x38;
	[tilespmem:$0x16200] =	vst v63  }
0x4ce: {  	s28 =	sadd.s32 $0x119D8, s0;
	s29 =	sadd.s32 $0xB0, s26  }
0x4cf: {  	[hbm4b:s29+s2] =	stream.linear.scatter [tilespmem:s28], [sflag:$0x3], $0x80, $0x38;
	[tilespmem:$0x16200] =	vst v63  }
0x4d0: {  	s25 =	sadd.s32 $0x1, s25;
	s30 =	sadd.s32 $0x11A60, s0;
	s31 =	sadd.s32 $0xC0, s26  }
0x4d1: {  	[hbm4b:s31+s2] =	stream.linear.scatter [tilespmem:s30], [sflag:$0x3], $0x80, $0x38;
	[tilespmem:$0x16200] =	vst v63  }
0x4d2: {  	p0 =	sne.s32 s25, $0x28;
	s9 =	sadd.s32 $0x11AE8, s0;
	s11 =	sadd.s32 $0xD0, s26  }
0x4d3: {  	[hbm4b:s11+s2] =	stream.linear.scatter [tilespmem:s9], [sflag:$0x3], $0x80, $0x38;
	[tilespmem:$0x16200] =	vst v63  }
.Ltmp4:
0x4d4: {  	_ = 	snop;
	(pc) =	sbr.rel @p0 .LBB2_2-.Ltmp4, $4  }
0x4d5: {  	s28 =	sadd.s32 $0x11B70, s0;
	s29 =	sadd.s32 $0xE0, s26  }
0x4d6: {  	[hbm4b:s29+s2] =	stream.linear.scatter [tilespmem:s28], [sflag:$0x3], $0x80, $0x38;
	[tilespmem:$0x16200] =	vst v63  }
0x4d7: {  	s30 =	sadd.s32 $0x11BF8, s0;
	s31 =	sadd.s32 $0xF0, s26  }
0x4d8: {  	[hbm4b:s31+s2] =	stream.linear.scatter [tilespmem:s30], [sflag:$0x3], $0x80, $0x38;
	[tilespmem:$0x16200] =	vst v63  }
0x4d9: {  	s24 =	sadd.s32 $0x1, s24  }
0x4da: {  	p0 =	sne.s32 s24, s8  }
.Ltmp5:
0x4db: {  	_ = 	snop;
	(pc) =	sbr.rel @p0 .LBB2_1-.Ltmp5, $4  }
0x4dc: {  	_ = 	snop  }
0x4dd: {  	_ =	swait.ge [sflag:s21], $0x4000  }
0x4de: {  	[sflag:s21] =	ssyncset.done $0x0  }
0x4df: {  	[sflag:s21] =	ssyncadd.s32 $0xFFFFC000  }
0x4e0: {  	_ =	sfence.sel $0x180000  }
0x4e1: {  	[bflag:$0x0] =	sbarrier.arrive $0xFFFF  }
0x4e2: {  	_ =	strace $0x90000047  }
0x4e3: {  	s0 =	stileid.u32;
	[bflag:$0x2] =	sbarrier.arrive $0xFFFF  }
0x4e4: {  	p0 =	sne.s32 s0, $0x0;
	s0 =	rddreg [dreg:$0x3]  }
0x4e5: {  	s0 =	sadd.s32 @!p0 $0x100000, s0  }
0x4e6: {  	[sflag:s0] =	ssyncadd.tile.s32 @!p0 $0x1;
	_ =	shalt  }
.Lfunc_end2:
_tile_overlayer_lowered:
.L_overlay_start_2:
0x4e7: {  	(tag) =	ssettag $0x2  }
0x4e8: {  	s0 =	rddreg [dreg:$0x0];
	s2 =	stileid.u32  }
0x4e9: {  	s1 =	rddreg [dreg:$0x1];
	p0 =	sne.s32 s2, $0x0  }
0x4ea: {  	s3 =	rddreg [dreg:$0x2];
	[bflag:$0x3] =	sbarrier.arrive $0xFFFF;
	s2 =	simm.s32 @!p0 $0x1C04  }
0x4eb: {  	[timem:s3], [sflag:s2] =	dma.local @!p0 [hbm:s0], s1  }
0x4ec: {  	s0 =	simm.s32 @!p0 $0x4  }
0x4ed: {  	_ =	swait.ge @!p0 [sflag:s0], s1  }
0x4ee: {  	s1 =	ssub.s32 @!p0 $0x0, s1;
	[sflag:s0] =	ssyncset.done @!p0 $0x0  }
0x4ef: {  	[sflag:s0] =	ssyncadd.s32 @!p0 s1  }
0x4f0: {  	[bflag:$0x3] =	sbarrier.arrive $0xFFFF  }
0x4f1: {  	_ =	shalt  }

</sc_bundles>
